<compile_context>
chip_gen: v7x
topology: tpu7x:2x2x1
jax: 0.10.2.dev20260603
libtpu: 0.0.44.dev20260713+nightly
codegen_flags: <defaults>
</compile_context>

<pallas_src>
import functools

import jax
import jax.numpy as jnp
from jax import lax
from jax.experimental import pallas as pl
from jax.experimental.pallas import tpu as pltpu
from jax.experimental.pallas import tpu_sc as plsc

N_FIELDS = 26
VOCAB = 100000
EMB = 32
BATCH = 16384

_NW = 32
_ROWS_W = BATCH * N_FIELDS // _NW
_G = 128
_NG = _ROWS_W // _G


def _body(tab, xf, out, xv, idx2, rows2, sem0, sem1):
    wid = lax.axis_index("s") * 2 + lax.axis_index("c")
    base = wid * _ROWS_W
    pltpu.sync_copy(xf.at[pl.ds(base, _ROWS_W)], xv)

    lane = lax.iota(jnp.int32, 16)
    sems = (sem0, sem1)

    def fire(g, buf):
        for s in range(_G // 16):
            j0 = g * _G + s * 16
            pos = j0 + lane
            off = (pos % N_FIELDS) * VOCAB
            idx2[buf, pl.ds(s * 16, 16)] = xv[pl.ds(j0, 16)] + off
        return pltpu.async_copy(
            tab.at[idx2.at[buf]], rows2.at[buf], sems[buf]
        )

    def finish(g, buf):
        pltpu.make_async_copy(
            tab.at[idx2.at[buf]], rows2.at[buf], sems[buf]
        ).wait()
        pltpu.sync_copy(rows2.at[buf], out.at[(base // _G) + g])

    fire(0, 0)

    def pair(g2, _):
        g = g2 * 2
        fire(g + 1, 1)
        finish(g, 0)

        @pl.when(g2 + 1 < _NG // 2)
        def _():
            fire(g + 2, 0)

        finish(g + 1, 1)
        return ()

    lax.fori_loop(0, _NG // 2, pair, ())


@jax.jit
def kernel(x, tables):
    tab = tables.reshape(N_FIELDS * VOCAB, EMB)
    xf = x.reshape(BATCH * N_FIELDS)
    mesh = plsc.VectorSubcoreMesh(core_axis_name="c", subcore_axis_name="s")
    run = functools.partial(
        pl.kernel,
        mesh=mesh,
        compiler_params=pltpu.CompilerParams(use_tc_tiling_on_sc=False),
        out_type=jax.ShapeDtypeStruct(
            (BATCH * N_FIELDS // _G, _G, EMB), jnp.float32
        ),
        scratch_types=[
            pltpu.VMEM((_ROWS_W,), jnp.int32),
            pltpu.VMEM((2, _G), jnp.int32),
            pltpu.VMEM((2, _G, EMB), jnp.float32),
            pltpu.SemaphoreType.DMA,
            pltpu.SemaphoreType.DMA,
        ],
    )(_body)
    out = run(tab, xf)
    return out.reshape(BATCH, N_FIELDS * EMB)

# --- scband reference (transcript-rebuilt; emitter-appended) ---
"""Pipeline reference for scband-entity-embedding-block-75892072120595 (READ-ONLY COPY).

The authoritative reference and input builder live on the scoring server;
editing this copy changes nothing except your own understanding.
"""

import jax, jax.numpy as jnp
import numpy as np

N_FIELDS = 26
VOCAB = 100000
EMB = 32
BATCH = 16384


def setup_inputs(seed: int = 0) -> dict:
    key = jax.random.key(seed)
    k1, k2 = jax.random.split(key)
    x = jax.random.randint(k1, (BATCH, N_FIELDS), 0, VOCAB, dtype=jnp.int32)
    # One embedding table per categorical field; all fields share (vocab, emb)
    # sizes here so we stack them into a single [F, V, D] tensor.
    tables = jax.random.normal(k2, (N_FIELDS, VOCAB, EMB), dtype=jnp.float32) * 0.01
    return {"x": x, "tables": tables}


def reference(x, tables):
    # Per-field embedding lookup: for field f, emb_f = tables[f][x[:, f]]
    # Vectorized: advanced indexing tables[f_idx, x] -> [B, F, D]
    f_idx = jnp.arange(N_FIELDS)[None, :]  # [1, F]
    emb = tables[f_idx, x]                 # [B, F, D]
    # Concatenate embeddings of all fields along the last dim -> [B, F*D]
    out = emb.reshape(x.shape[0], N_FIELDS * EMB)
    return out

if __name__ == "__main__":
    import jax
    _d = setup_inputs()
    print(jax.jit(kernel)(*tuple(_d.values())))

</pallas_src>

<mosaic_0001>
#map = affine_map<(d0, d1) -> (0, 0)>
#map1 = affine_map<(d0, d1) -> (0)>
#map2 = affine_map<(d0, d1) -> (0, 0, 0)>
module attributes {stable_mosaic.version = 14 : i64} {
  func.func @_body(%arg0: i32, %arg1: i32, %arg2: memref<2600000x32xf32, #tpu.memory_space<hbm>>, %arg3: memref<425984xi32, #tpu.memory_space<hbm>>, %arg4: memref<3328x128x32xf32, #tpu.memory_space<hbm>>, %arg5: memref<13312xi32, #tpu.memory_space<vmem>>, %arg6: memref<2x128xi32, #tpu.memory_space<vmem>>, %arg7: memref<2x128x32xf32, #tpu.memory_space<vmem>>, %arg8: memref<!tpu.dma_semaphore, #tpu.memory_space<semaphore_mem>>, %arg9: memref<!tpu.dma_semaphore, #tpu.memory_space<semaphore_mem>>) attributes {dimension_semantics = [#tpu.dimension_semantics<core_parallel>, #tpu.dimension_semantics<subcore_parallel>], iteration_bounds = array<i64: 2, 16>, scalar_prefetch = 0 : i64, scratch_operands = 5 : i64, tpu.core_type = #tpu.core_type<sc_vector_subcore>, window_params = [{transform_indices = #map}, {transform_indices = #map1}, {transform_indices = #map2}]} {
    %mul3A = arith.constant 2 : i32
    %mul3A_0 = arith.muli %arg1, %mul3A : i32
    %add3A = arith.addi %mul3A_0, %arg0 : i32
    %mul3A_1 = arith.constant 13312 : i32
    %mul3A_2 = arith.muli %add3A, %mul3A_1 : i32
    "tpu.region"() ({
      %run_scoped3A = tpu.sem_alloc : memref<!tpu.dma_semaphore, #tpu.memory_space<semaphore_mem>>
      %dma_start3A_313 = tpu.memref_slice %arg3[%mul3A_2] : memref<425984xi32, #tpu.memory_space<hbm>> -> memref<13312xi32, #tpu.memory_space<hbm>>
      %dma_start3A_314 = tpu.memref_slice %arg3[%mul3A_2] : memref<425984xi32, #tpu.memory_space<hbm>> -> memref<13312xi32, #tpu.memory_space<hbm>>
      tpu.enqueue_dma source(%dma_start3A_314 : memref<13312xi32, #tpu.memory_space<hbm>>) target(%arg5 : memref<13312xi32, #tpu.memory_space<vmem>>) target_semaphore(%run_scoped3A : memref<!tpu.dma_semaphore, #tpu.memory_space<semaphore_mem>>)
      %dma_wait3A = tpu.memref_slice %arg3[%mul3A_2] : memref<425984xi32, #tpu.memory_space<hbm>> -> memref<13312xi32, #tpu.memory_space<hbm>>
      %dma_wait3A_315 = tpu.memref_slice %arg3[%mul3A_2] : memref<425984xi32, #tpu.memory_space<hbm>> -> memref<13312xi32, #tpu.memory_space<hbm>>
      tpu.wait_dma2 semaphore(%run_scoped3A : memref<!tpu.dma_semaphore, #tpu.memory_space<semaphore_mem>>) src(%dma_wait3A_315 : memref<13312xi32, #tpu.memory_space<hbm>>) dst(%arg5 : memref<13312xi32, #tpu.memory_space<vmem>>)
      tpu.yield
    }) : () -> ()
    %iota3A = tpu.iota {dimensions = array<i32: 0>} : vector<16xi32>
    %add3A_3 = arith.constant 0 : i32
    %add3A_4 = vector.broadcast %add3A_3 : i32 to vector<16xi32>
    %add3A_5 = arith.addi %add3A_4, %iota3A : vector<16xi32>
    %jit3A = arith.constant 26 : i32
    %eq3A = arith.constant 0 : i32
    %eq3A_6 = arith.cmpi eq, %jit3A, %eq3A : i32
    %jit3A_7 = arith.constant 1 : i32
    %select_n3A = arith.select %eq3A_6, %jit3A_7, %jit3A : i32
    %rem3A = vector.broadcast %select_n3A : i32 to vector<16xi32>
    %rem3A_8 = arith.remsi %add3A_5, %rem3A : vector<16xi32>
    %ne3A = arith.constant 0 : i32
    %ne3A_9 = vector.broadcast %ne3A : i32 to vector<16xi32>
    %ne3A_10 = arith.cmpi ne, %rem3A_8, %ne3A_9 : vector<16xi32>
    %lt3A = arith.constant 0 : i32
    %lt3A_11 = vector.broadcast %lt3A : i32 to vector<16xi32>
    %lt3A_12 = arith.cmpi slt, %rem3A_8, %lt3A_11 : vector<16xi32>
    %lt3A_13 = arith.constant 0 : i32
    %lt3A_14 = arith.cmpi slt, %select_n3A, %lt3A_13 : i32
    %ne3A_15 = vector.broadcast %lt3A_14 : i1 to vector<16xi1>
    %ne3A_16 = vector.broadcast %ne3A_15 : vector<16xi1> to vector<16xi1>
    %ne3A_17 = arith.xori %lt3A_12, %ne3A_16 : vector<16xi1>
    %and3A = arith.andi %ne3A_17, %ne3A_10 : vector<16xi1>
    %add3A_18 = vector.broadcast %select_n3A : i32 to vector<16xi32>
    %add3A_19 = arith.addi %rem3A_8, %add3A_18 : vector<16xi32>
    %select_n3A_20 = arith.select %and3A, %add3A_19, %rem3A_8 : vector<16xi1>, vector<16xi32>
    %mul3A_21 = arith.constant 100000 : i32
    %mul3A_22 = vector.broadcast %mul3A_21 : i32 to vector<16xi32>
    %mul3A_23 = arith.muli %select_n3A_20, %mul3A_22 : vector<16xi32>
    %get3A = arith.constant 0 : index
    %get3A_24 = tpu.vector_load %arg5[%get3A] {strides = array<i32>} : memref<13312xi32, #tpu.memory_space<vmem>>, vector<16xi32>,
    %get3A_25 = vector.shape_cast %get3A_24 : vector<16xi32> to vector<16xi32>
    %add3A_26 = arith.addi %get3A_25, %mul3A_23 : vector<16xi32>
    %swap3A = arith.constant 0 : i32
    %swap3A_27 = arith.index_cast %swap3A : i32 to index
    %swap3A_28 = arith.constant 0 : index
    %swap3A_29 = tpu.vector_load %arg6[%swap3A_27, %swap3A_28] {strides = array<i32>} : memref<2x128xi32, #tpu.memory_space<vmem>>, vector<1x16xi32>,
    %swap3A_30 = vector.shape_cast %swap3A_29 : vector<1x16xi32> to vector<16xi32>
    %swap3A_31 = vector.shape_cast %add3A_26 : vector<16xi32> to vector<1x16xi32>
    tpu.vector_store %arg6[%swap3A_27, %swap3A_28], %swap3A_31 {strides = array<i32>} : memref<2x128xi32, #tpu.memory_space<vmem>>, vector<1x16xi32>,
    %add3A_32 = arith.constant 16 : i32
    %add3A_33 = vector.broadcast %add3A_32 : i32 to vector<16xi32>
    %add3A_34 = arith.addi %add3A_33, %iota3A : vector<16xi32>
    %jit3A_35 = arith.constant 26 : i32
    %eq3A_36 = arith.constant 0 : i32
    %eq3A_37 = arith.cmpi eq, %jit3A_35, %eq3A_36 : i32
    %jit3A_38 = arith.constant 1 : i32
    %select_n3A_39 = arith.select %eq3A_37, %jit3A_38, %jit3A_35 : i32
    %rem3A_40 = vector.broadcast %select_n3A_39 : i32 to vector<16xi32>
    %rem3A_41 = arith.remsi %add3A_34, %rem3A_40 : vector<16xi32>
    %ne3A_42 = arith.constant 0 : i32
    %ne3A_43 = vector.broadcast %ne3A_42 : i32 to vector<16xi32>
    %ne3A_44 = arith.cmpi ne, %rem3A_41, %ne3A_43 : vector<16xi32>
    %lt3A_45 = arith.constant 0 : i32
    %lt3A_46 = vector.broadcast %lt3A_45 : i32 to vector<16xi32>
    %lt3A_47 = arith.cmpi slt, %rem3A_41, %lt3A_46 : vector<16xi32>
    %lt3A_48 = arith.constant 0 : i32
    %lt3A_49 = arith.cmpi slt, %select_n3A_39, %lt3A_48 : i32
    %ne3A_50 = vector.broadcast %lt3A_49 : i1 to vector<16xi1>
    %ne3A_51 = vector.broadcast %ne3A_50 : vector<16xi1> to vector<16xi1>
    %ne3A_52 = arith.xori %lt3A_47, %ne3A_51 : vector<16xi1>
    %and3A_53 = arith.andi %ne3A_52, %ne3A_44 : vector<16xi1>
    %add3A_54 = vector.broadcast %select_n3A_39 : i32 to vector<16xi32>
    %add3A_55 = arith.addi %rem3A_41, %add3A_54 : vector<16xi32>
    %select_n3A_56 = arith.select %and3A_53, %add3A_55, %rem3A_41 : vector<16xi1>, vector<16xi32>
    %mul3A_57 = arith.constant 100000 : i32
    %mul3A_58 = vector.broadcast %mul3A_57 : i32 to vector<16xi32>
    %mul3A_59 = arith.muli %select_n3A_56, %mul3A_58 : vector<16xi32>
    %get3A_60 = arith.constant 16 : index
    %get3A_61 = tpu.vector_load %arg5[%get3A_60] {strides = array<i32>} : memref<13312xi32, #tpu.memory_space<vmem>>, vector<16xi32>,
    %get3A_62 = vector.shape_cast %get3A_61 : vector<16xi32> to vector<16xi32>
    %add3A_63 = arith.addi %get3A_62, %mul3A_59 : vector<16xi32>
    %swap3A_64 = arith.constant 0 : i32
    %swap3A_65 = arith.index_cast %swap3A_64 : i32 to index
    %swap3A_66 = arith.constant 16 : index
    %swap3A_67 = tpu.vector_load %arg6[%swap3A_65, %swap3A_66] {strides = array<i32>} : memref<2x128xi32, #tpu.memory_space<vmem>>, vector<1x16xi32>,
    %swap3A_68 = vector.shape_cast %swap3A_67 : vector<1x16xi32> to vector<16xi32>
    %swap3A_69 = vector.shape_cast %add3A_63 : vector<16xi32> to vector<1x16xi32>
    tpu.vector_store %arg6[%swap3A_65, %swap3A_66], %swap3A_69 {strides = array<i32>} : memref<2x128xi32, #tpu.memory_space<vmem>>, vector<1x16xi32>,
    %add3A_70 = arith.constant 32 : i32
    %add3A_71 = vector.broadcast %add3A_70 : i32 to vector<16xi32>
    %add3A_72 = arith.addi %add3A_71, %iota3A : vector<16xi32>
    %jit3A_73 = arith.constant 26 : i32
    %eq3A_74 = arith.constant 0 : i32
    %eq3A_75 = arith.cmpi eq, %jit3A_73, %eq3A_74 : i32
    %jit3A_76 = arith.constant 1 : i32
    %select_n3A_77 = arith.select %eq3A_75, %jit3A_76, %jit3A_73 : i32
    %rem3A_78 = vector.broadcast %select_n3A_77 : i32 to vector<16xi32>
    %rem3A_79 = arith.remsi %add3A_72, %rem3A_78 : vector<16xi32>
    %ne3A_80 = arith.constant 0 : i32
    %ne3A_81 = vector.broadcast %ne3A_80 : i32 to vector<16xi32>
    %ne3A_82 = arith.cmpi ne, %rem3A_79, %ne3A_81 : vector<16xi32>
    %lt3A_83 = arith.constant 0 : i32
    %lt3A_84 = vector.broadcast %lt3A_83 : i32 to vector<16xi32>
    %lt3A_85 = arith.cmpi slt, %rem3A_79, %lt3A_84 : vector<16xi32>
    %lt3A_86 = arith.constant 0 : i32
    %lt3A_87 = arith.cmpi slt, %select_n3A_77, %lt3A_86 : i32
    %ne3A_88 = vector.broadcast %lt3A_87 : i1 to vector<16xi1>
    %ne3A_89 = vector.broadcast %ne3A_88 : vector<16xi1> to vector<16xi1>
    %ne3A_90 = arith.xori %lt3A_85, %ne3A_89 : vector<16xi1>
    %and3A_91 = arith.andi %ne3A_90, %ne3A_82 : vector<16xi1>
    %add3A_92 = vector.broadcast %select_n3A_77 : i32 to vector<16xi32>
    %add3A_93 = arith.addi %rem3A_79, %add3A_92 : vector<16xi32>
    %select_n3A_94 = arith.select %and3A_91, %add3A_93, %rem3A_79 : vector<16xi1>, vector<16xi32>
    %mul3A_95 = arith.constant 100000 : i32
    %mul3A_96 = vector.broadcast %mul3A_95 : i32 to vector<16xi32>
    %mul3A_97 = arith.muli %select_n3A_94, %mul3A_96 : vector<16xi32>
    %get3A_98 = arith.constant 32 : index
    %get3A_99 = tpu.vector_load %arg5[%get3A_98] {strides = array<i32>} : memref<13312xi32, #tpu.memory_space<vmem>>, vector<16xi32>,
    %get3A_100 = vector.shape_cast %get3A_99 : vector<16xi32> to vector<16xi32>
    %add3A_101 = arith.addi %get3A_100, %mul3A_97 : vector<16xi32>
    %swap3A_102 = arith.constant 0 : i32
    %swap3A_103 = arith.index_cast %swap3A_102 : i32 to index
    %swap3A_104 = arith.constant 32 : index
    %swap3A_105 = tpu.vector_load %arg6[%swap3A_103, %swap3A_104] {strides = array<i32>} : memref<2x128xi32, #tpu.memory_space<vmem>>, vector<1x16xi32>,
    %swap3A_106 = vector.shape_cast %swap3A_105 : vector<1x16xi32> to vector<16xi32>
    %swap3A_107 = vector.shape_cast %add3A_101 : vector<16xi32> to vector<1x16xi32>
    tpu.vector_store %arg6[%swap3A_103, %swap3A_104], %swap3A_107 {strides = array<i32>} : memref<2x128xi32, #tpu.memory_space<vmem>>, vector<1x16xi32>,
    %add3A_108 = arith.constant 48 : i32
    %add3A_109 = vector.broadcast %add3A_108 : i32 to vector<16xi32>
    %add3A_110 = arith.addi %add3A_109, %iota3A : vector<16xi32>
    %jit3A_111 = arith.constant 26 : i32
    %eq3A_112 = arith.constant 0 : i32
    %eq3A_113 = arith.cmpi eq, %jit3A_111, %eq3A_112 : i32
    %jit3A_114 = arith.constant 1 : i32
    %select_n3A_115 = arith.select %eq3A_113, %jit3A_114, %jit3A_111 : i32
    %rem3A_116 = vector.broadcast %select_n3A_115 : i32 to vector<16xi32>
    %rem3A_117 = arith.remsi %add3A_110, %rem3A_116 : vector<16xi32>
    %ne3A_118 = arith.constant 0 : i32
    %ne3A_119 = vector.broadcast %ne3A_118 : i32 to vector<16xi32>
    %ne3A_120 = arith.cmpi ne, %rem3A_117, %ne3A_119 : vector<16xi32>
    %lt3A_121 = arith.constant 0 : i32
    %lt3A_122 = vector.broadcast %lt3A_121 : i32 to vector<16xi32>
    %lt3A_123 = arith.cmpi slt, %rem3A_117, %lt3A_122 : vector<16xi32>
    %lt3A_124 = arith.constant 0 : i32
    %lt3A_125 = arith.cmpi slt, %select_n3A_115, %lt3A_124 : i32
    %ne3A_126 = vector.broadcast %lt3A_125 : i1 to vector<16xi1>
    %ne3A_127 = vector.broadcast %ne3A_126 : vector<16xi1> to vector<16xi1>
    %ne3A_128 = arith.xori %lt3A_123, %ne3A_127 : vector<16xi1>
    %and3A_129 = arith.andi %ne3A_128, %ne3A_120 : vector<16xi1>
    %add3A_130 = vector.broadcast %select_n3A_115 : i32 to vector<16xi32>
    %add3A_131 = arith.addi %rem3A_117, %add3A_130 : vector<16xi32>
    %select_n3A_132 = arith.select %and3A_129, %add3A_131, %rem3A_117 : vector<16xi1>, vector<16xi32>
    %mul3A_133 = arith.constant 100000 : i32
    %mul3A_134 = vector.broadcast %mul3A_133 : i32 to vector<16xi32>
    %mul3A_135 = arith.muli %select_n3A_132, %mul3A_134 : vector<16xi32>
    %get3A_136 = arith.constant 48 : index
    %get3A_137 = tpu.vector_load %arg5[%get3A_136] {strides = array<i32>} : memref<13312xi32, #tpu.memory_space<vmem>>, vector<16xi32>,
    %get3A_138 = vector.shape_cast %get3A_137 : vector<16xi32> to vector<16xi32>
    %add3A_139 = arith.addi %get3A_138, %mul3A_135 : vector<16xi32>
    %swap3A_140 = arith.constant 0 : i32
    %swap3A_141 = arith.index_cast %swap3A_140 : i32 to index
    %swap3A_142 = arith.constant 48 : index
    %swap3A_143 = tpu.vector_load %arg6[%swap3A_141, %swap3A_142] {strides = array<i32>} : memref<2x128xi32, #tpu.memory_space<vmem>>, vector<1x16xi32>,
    %swap3A_144 = vector.shape_cast %swap3A_143 : vector<1x16xi32> to vector<16xi32>
    %swap3A_145 = vector.shape_cast %add3A_139 : vector<16xi32> to vector<1x16xi32>
    tpu.vector_store %arg6[%swap3A_141, %swap3A_142], %swap3A_145 {strides = array<i32>} : memref<2x128xi32, #tpu.memory_space<vmem>>, vector<1x16xi32>,
    %add3A_146 = arith.constant 64 : i32
    %add3A_147 = vector.broadcast %add3A_146 : i32 to vector<16xi32>
    %add3A_148 = arith.addi %add3A_147, %iota3A : vector<16xi32>
    %jit3A_149 = arith.constant 26 : i32
    %eq3A_150 = arith.constant 0 : i32
    %eq3A_151 = arith.cmpi eq, %jit3A_149, %eq3A_150 : i32
    %jit3A_152 = arith.constant 1 : i32
    %select_n3A_153 = arith.select %eq3A_151, %jit3A_152, %jit3A_149 : i32
    %rem3A_154 = vector.broadcast %select_n3A_153 : i32 to vector<16xi32>
    %rem3A_155 = arith.remsi %add3A_148, %rem3A_154 : vector<16xi32>
    %ne3A_156 = arith.constant 0 : i32
    %ne3A_157 = vector.broadcast %ne3A_156 : i32 to vector<16xi32>
    %ne3A_158 = arith.cmpi ne, %rem3A_155, %ne3A_157 : vector<16xi32>
    %lt3A_159 = arith.constant 0 : i32
    %lt3A_160 = vector.broadcast %lt3A_159 : i32 to vector<16xi32>
    %lt3A_161 = arith.cmpi slt, %rem3A_155, %lt3A_160 : vector<16xi32>
    %lt3A_162 = arith.constant 0 : i32
    %lt3A_163 = arith.cmpi slt, %select_n3A_153, %lt3A_162 : i32
    %ne3A_164 = vector.broadcast %lt3A_163 : i1 to vector<16xi1>
    %ne3A_165 = vector.broadcast %ne3A_164 : vector<16xi1> to vector<16xi1>
    %ne3A_166 = arith.xori %lt3A_161, %ne3A_165 : vector<16xi1>
    %and3A_167 = arith.andi %ne3A_166, %ne3A_158 : vector<16xi1>
    %add3A_168 = vector.broadcast %select_n3A_153 : i32 to vector<16xi32>
    %add3A_169 = arith.addi %rem3A_155, %add3A_168 : vector<16xi32>
    %select_n3A_170 = arith.select %and3A_167, %add3A_169, %rem3A_155 : vector<16xi1>, vector<16xi32>
    %mul3A_171 = arith.constant 100000 : i32
    %mul3A_172 = vector.broadcast %mul3A_171 : i32 to vector<16xi32>
    %mul3A_173 = arith.muli %select_n3A_170, %mul3A_172 : vector<16xi32>
    %get3A_174 = arith.constant 64 : index
    %get3A_175 = tpu.vector_load %arg5[%get3A_174] {strides = array<i32>} : memref<13312xi32, #tpu.memory_space<vmem>>, vector<16xi32>,
    %get3A_176 = vector.shape_cast %get3A_175 : vector<16xi32> to vector<16xi32>
    %add3A_177 = arith.addi %get3A_176, %mul3A_173 : vector<16xi32>
    %swap3A_178 = arith.constant 0 : i32
    %swap3A_179 = arith.index_cast %swap3A_178 : i32 to index
    %swap3A_180 = arith.constant 64 : index
    %swap3A_181 = tpu.vector_load %arg6[%swap3A_179, %swap3A_180] {strides = array<i32>} : memref<2x128xi32, #tpu.memory_space<vmem>>, vector<1x16xi32>,
    %swap3A_182 = vector.shape_cast %swap3A_181 : vector<1x16xi32> to vector<16xi32>
    %swap3A_183 = vector.shape_cast %add3A_177 : vector<16xi32> to vector<1x16xi32>
    tpu.vector_store %arg6[%swap3A_179, %swap3A_180], %swap3A_183 {strides = array<i32>} : memref<2x128xi32, #tpu.memory_space<vmem>>, vector<1x16xi32>,
    %add3A_184 = arith.constant 80 : i32
    %add3A_185 = vector.broadcast %add3A_184 : i32 to vector<16xi32>
    %add3A_186 = arith.addi %add3A_185, %iota3A : vector<16xi32>
    %jit3A_187 = arith.constant 26 : i32
    %eq3A_188 = arith.constant 0 : i32
    %eq3A_189 = arith.cmpi eq, %jit3A_187, %eq3A_188 : i32
    %jit3A_190 = arith.constant 1 : i32
    %select_n3A_191 = arith.select %eq3A_189, %jit3A_190, %jit3A_187 : i32
    %rem3A_192 = vector.broadcast %select_n3A_191 : i32 to vector<16xi32>
    %rem3A_193 = arith.remsi %add3A_186, %rem3A_192 : vector<16xi32>
    %ne3A_194 = arith.constant 0 : i32
    %ne3A_195 = vector.broadcast %ne3A_194 : i32 to vector<16xi32>
    %ne3A_196 = arith.cmpi ne, %rem3A_193, %ne3A_195 : vector<16xi32>
    %lt3A_197 = arith.constant 0 : i32
    %lt3A_198 = vector.broadcast %lt3A_197 : i32 to vector<16xi32>
    %lt3A_199 = arith.cmpi slt, %rem3A_193, %lt3A_198 : vector<16xi32>
    %lt3A_200 = arith.constant 0 : i32
    %lt3A_201 = arith.cmpi slt, %select_n3A_191, %lt3A_200 : i32
    %ne3A_202 = vector.broadcast %lt3A_201 : i1 to vector<16xi1>
    %ne3A_203 = vector.broadcast %ne3A_202 : vector<16xi1> to vector<16xi1>
    %ne3A_204 = arith.xori %lt3A_199, %ne3A_203 : vector<16xi1>
    %and3A_205 = arith.andi %ne3A_204, %ne3A_196 : vector<16xi1>
    %add3A_206 = vector.broadcast %select_n3A_191 : i32 to vector<16xi32>
    %add3A_207 = arith.addi %rem3A_193, %add3A_206 : vector<16xi32>
    %select_n3A_208 = arith.select %and3A_205, %add3A_207, %rem3A_193 : vector<16xi1>, vector<16xi32>
    %mul3A_209 = arith.constant 100000 : i32
    %mul3A_210 = vector.broadcast %mul3A_209 : i32 to vector<16xi32>
    %mul3A_211 = arith.muli %select_n3A_208, %mul3A_210 : vector<16xi32>
    %get3A_212 = arith.constant 80 : index
    %get3A_213 = tpu.vector_load %arg5[%get3A_212] {strides = array<i32>} : memref<13312xi32, #tpu.memory_space<vmem>>, vector<16xi32>,
    %get3A_214 = vector.shape_cast %get3A_213 : vector<16xi32> to vector<16xi32>
    %add3A_215 = arith.addi %get3A_214, %mul3A_211 : vector<16xi32>
    %swap3A_216 = arith.constant 0 : i32
    %swap3A_217 = arith.index_cast %swap3A_216 : i32 to index
    %swap3A_218 = arith.constant 80 : index
    %swap3A_219 = tpu.vector_load %arg6[%swap3A_217, %swap3A_218] {strides = array<i32>} : memref<2x128xi32, #tpu.memory_space<vmem>>, vector<1x16xi32>,
    %swap3A_220 = vector.shape_cast %swap3A_219 : vector<1x16xi32> to vector<16xi32>
    %swap3A_221 = vector.shape_cast %add3A_215 : vector<16xi32> to vector<1x16xi32>
    tpu.vector_store %arg6[%swap3A_217, %swap3A_218], %swap3A_221 {strides = array<i32>} : memref<2x128xi32, #tpu.memory_space<vmem>>, vector<1x16xi32>,
    %add3A_222 = arith.constant 96 : i32
    %add3A_223 = vector.broadcast %add3A_222 : i32 to vector<16xi32>
    %add3A_224 = arith.addi %add3A_223, %iota3A : vector<16xi32>
    %jit3A_225 = arith.constant 26 : i32
    %eq3A_226 = arith.constant 0 : i32
    %eq3A_227 = arith.cmpi eq, %jit3A_225, %eq3A_226 : i32
    %jit3A_228 = arith.constant 1 : i32
    %select_n3A_229 = arith.select %eq3A_227, %jit3A_228, %jit3A_225 : i32
    %rem3A_230 = vector.broadcast %select_n3A_229 : i32 to vector<16xi32>
    %rem3A_231 = arith.remsi %add3A_224, %rem3A_230 : vector<16xi32>
    %ne3A_232 = arith.constant 0 : i32
    %ne3A_233 = vector.broadcast %ne3A_232 : i32 to vector<16xi32>
    %ne3A_234 = arith.cmpi ne, %rem3A_231, %ne3A_233 : vector<16xi32>
    %lt3A_235 = arith.constant 0 : i32
    %lt3A_236 = vector.broadcast %lt3A_235 : i32 to vector<16xi32>
    %lt3A_237 = arith.cmpi slt, %rem3A_231, %lt3A_236 : vector<16xi32>
    %lt3A_238 = arith.constant 0 : i32
    %lt3A_239 = arith.cmpi slt, %select_n3A_229, %lt3A_238 : i32
    %ne3A_240 = vector.broadcast %lt3A_239 : i1 to vector<16xi1>
    %ne3A_241 = vector.broadcast %ne3A_240 : vector<16xi1> to vector<16xi1>
    %ne3A_242 = arith.xori %lt3A_237, %ne3A_241 : vector<16xi1>
    %and3A_243 = arith.andi %ne3A_242, %ne3A_234 : vector<16xi1>
    %add3A_244 = vector.broadcast %select_n3A_229 : i32 to vector<16xi32>
    %add3A_245 = arith.addi %rem3A_231, %add3A_244 : vector<16xi32>
    %select_n3A_246 = arith.select %and3A_243, %add3A_245, %rem3A_231 : vector<16xi1>, vector<16xi32>
    %mul3A_247 = arith.constant 100000 : i32
    %mul3A_248 = vector.broadcast %mul3A_247 : i32 to vector<16xi32>
    %mul3A_249 = arith.muli %select_n3A_246, %mul3A_248 : vector<16xi32>
    %get3A_250 = arith.constant 96 : index
    %get3A_251 = tpu.vector_load %arg5[%get3A_250] {strides = array<i32>} : memref<13312xi32, #tpu.memory_space<vmem>>, vector<16xi32>,
    %get3A_252 = vector.shape_cast %get3A_251 : vector<16xi32> to vector<16xi32>
    %add3A_253 = arith.addi %get3A_252, %mul3A_249 : vector<16xi32>
    %swap3A_254 = arith.constant 0 : i32
    %swap3A_255 = arith.index_cast %swap3A_254 : i32 to index
    %swap3A_256 = arith.constant 96 : index
    %swap3A_257 = tpu.vector_load %arg6[%swap3A_255, %swap3A_256] {strides = array<i32>} : memref<2x128xi32, #tpu.memory_space<vmem>>, vector<1x16xi32>,
    %swap3A_258 = vector.shape_cast %swap3A_257 : vector<1x16xi32> to vector<16xi32>
    %swap3A_259 = vector.shape_cast %add3A_253 : vector<16xi32> to vector<1x16xi32>
    tpu.vector_store %arg6[%swap3A_255, %swap3A_256], %swap3A_259 {strides = array<i32>} : memref<2x128xi32, #tpu.memory_space<vmem>>, vector<1x16xi32>,
    %add3A_260 = arith.constant 112 : i32
    %add3A_261 = vector.broadcast %add3A_260 : i32 to vector<16xi32>
    %add3A_262 = arith.addi %add3A_261, %iota3A : vector<16xi32>
    %jit3A_263 = arith.constant 26 : i32
    %eq3A_264 = arith.constant 0 : i32
    %eq3A_265 = arith.cmpi eq, %jit3A_263, %eq3A_264 : i32
    %jit3A_266 = arith.constant 1 : i32
    %select_n3A_267 = arith.select %eq3A_265, %jit3A_266, %jit3A_263 : i32
    %rem3A_268 = vector.broadcast %select_n3A_267 : i32 to vector<16xi32>
    %rem3A_269 = arith.remsi %add3A_262, %rem3A_268 : vector<16xi32>
    %ne3A_270 = arith.constant 0 : i32
    %ne3A_271 = vector.broadcast %ne3A_270 : i32 to vector<16xi32>
    %ne3A_272 = arith.cmpi ne, %rem3A_269, %ne3A_271 : vector<16xi32>
    %lt3A_273 = arith.constant 0 : i32
    %lt3A_274 = vector.broadcast %lt3A_273 : i32 to vector<16xi32>
    %lt3A_275 = arith.cmpi slt, %rem3A_269, %lt3A_274 : vector<16xi32>
    %lt3A_276 = arith.constant 0 : i32
    %lt3A_277 = arith.cmpi slt, %select_n3A_267, %lt3A_276 : i32
    %ne3A_278 = vector.broadcast %lt3A_277 : i1 to vector<16xi1>
    %ne3A_279 = vector.broadcast %ne3A_278 : vector<16xi1> to vector<16xi1>
    %ne3A_280 = arith.xori %lt3A_275, %ne3A_279 : vector<16xi1>
    %and3A_281 = arith.andi %ne3A_280, %ne3A_272 : vector<16xi1>
    %add3A_282 = vector.broadcast %select_n3A_267 : i32 to vector<16xi32>
    %add3A_283 = arith.addi %rem3A_269, %add3A_282 : vector<16xi32>
    %select_n3A_284 = arith.select %and3A_281, %add3A_283, %rem3A_269 : vector<16xi1>, vector<16xi32>
    %mul3A_285 = arith.constant 100000 : i32
    %mul3A_286 = vector.broadcast %mul3A_285 : i32 to vector<16xi32>
    %mul3A_287 = arith.muli %select_n3A_284, %mul3A_286 : vector<16xi32>
    %get3A_288 = arith.constant 112 : index
    %get3A_289 = tpu.vector_load %arg5[%get3A_288] {strides = array<i32>} : memref<13312xi32, #tpu.memory_space<vmem>>, vector<16xi32>,
    %get3A_290 = vector.shape_cast %get3A_289 : vector<16xi32> to vector<16xi32>
    %add3A_291 = arith.addi %get3A_290, %mul3A_287 : vector<16xi32>
    %swap3A_292 = arith.constant 0 : i32
    %swap3A_293 = arith.index_cast %swap3A_292 : i32 to index
    %swap3A_294 = arith.constant 112 : index
    %swap3A_295 = tpu.vector_load %arg6[%swap3A_293, %swap3A_294] {strides = array<i32>} : memref<2x128xi32, #tpu.memory_space<vmem>>, vector<1x16xi32>,
    %swap3A_296 = vector.shape_cast %swap3A_295 : vector<1x16xi32> to vector<16xi32>
    %swap3A_297 = vector.shape_cast %add3A_291 : vector<16xi32> to vector<1x16xi32>
    tpu.vector_store %arg6[%swap3A_293, %swap3A_294], %swap3A_297 {strides = array<i32>} : memref<2x128xi32, #tpu.memory_space<vmem>>, vector<1x16xi32>,
    %dma_start3A = arith.constant 0 : i32
    %dma_start3A_298 = arith.constant 0 : i32
    %dma_start3A_299 = arith.constant 0 : i32
    %dma_start3A_300 = arith.constant 0 : i32
    %dma_start3A_301 = tpu.memref_slice %arg7[%dma_start3A_298, %dma_start3A_299, %dma_start3A_300] : memref<2x128x32xf32, #tpu.memory_space<vmem>> -> memref<1x128x32xf32, #tpu.memory_space<vmem>>
    %dma_start3A_302 = tpu.memref_squeeze %dma_start3A_301 : memref<1x128x32xf32, #tpu.memory_space<vmem>> -> memref<128x32xf32, #tpu.memory_space<vmem>>
    %dma_start3A_303 = arith.constant 0 : i32
    %dma_start3A_304 = tpu.memref_slice %arg6[%dma_start3A, %dma_start3A_303] : memref<2x128xi32, #tpu.memory_space<vmem>> -> memref<1x128xi32, #tpu.memory_space<vmem>>
    %dma_start3A_305 = tpu.memref_squeeze %dma_start3A_304 : memref<1x128xi32, #tpu.memory_space<vmem>> -> memref<128xi32, #tpu.memory_space<vmem>>
    %dma_start3A_306 = arith.constant 0 : i32
    %dma_start3A_307 = arith.constant 0 : i32
    %dma_start3A_308 = tpu.memref_slice %arg2[%dma_start3A_306, %dma_start3A_307] : memref<2600000x32xf32, #tpu.memory_space<hbm>> -> memref<2600000x32xf32, #tpu.memory_space<hbm>>
    tpu.enqueue_indirect_dma source(%dma_start3A_308 : memref<2600000x32xf32, #tpu.memory_space<hbm>>) target(%dma_start3A_302 : memref<128x32xf32, #tpu.memory_space<vmem>>) offsets(%dma_start3A_305 : memref<128xi32, #tpu.memory_space<vmem>>) semaphore(%arg8 : memref<!tpu.dma_semaphore, #tpu.memory_space<semaphore_mem>>)
    %scan3A = arith.constant 0 : i32
    %scan3A_309 = arith.constant 52 : i32
    %scan3A_310 = arith.addi %scan3A, %scan3A_309 : i32
    %scan3A_311 = arith.constant 1 : i32
    scf.for %scan3A_313 = %scan3A to %scan3A_310 step %scan3A_311  : i32 {
      %mul3A_314 = arith.constant 2 : i32
      %mul3A_315 = arith.muli %scan3A_313, %mul3A_314 : i32
      %add3A_316 = arith.constant 1 : i32
      %add3A_317 = arith.addi %mul3A_315, %add3A_316 : i32
      %mul3A_318 = arith.constant 128 : i32
      %mul3A_319 = arith.muli %add3A_317, %mul3A_318 : i32
      %add3A_320 = arith.constant 0 : i32
      %add3A_321 = arith.addi %mul3A_319, %add3A_320 : i32
      %add3A_322 = vector.broadcast %add3A_321 : i32 to vector<16xi32>
      %add3A_323 = arith.addi %add3A_322, %iota3A : vector<16xi32>
      %jit3A_324 = arith.constant 26 : i32
      %eq3A_325 = arith.constant 0 : i32
      %eq3A_326 = arith.cmpi eq, %jit3A_324, %eq3A_325 : i32
      %jit3A_327 = arith.constant 1 : i32
      %select_n3A_328 = arith.select %eq3A_326, %jit3A_327, %jit3A_324 : i32
      %rem3A_329 = vector.broadcast %select_n3A_328 : i32 to vector<16xi32>
      %rem3A_330 = arith.remsi %add3A_323, %rem3A_329 : vector<16xi32>
      %ne3A_331 = arith.constant 0 : i32
      %ne3A_332 = vector.broadcast %ne3A_331 : i32 to vector<16xi32>
      %ne3A_333 = arith.cmpi ne, %rem3A_330, %ne3A_332 : vector<16xi32>
      %lt3A_334 = arith.constant 0 : i32
      %lt3A_335 = vector.broadcast %lt3A_334 : i32 to vector<16xi32>
      %lt3A_336 = arith.cmpi slt, %rem3A_330, %lt3A_335 : vector<16xi32>
      %lt3A_337 = arith.constant 0 : i32
      %lt3A_338 = arith.cmpi slt, %select_n3A_328, %lt3A_337 : i32
      %ne3A_339 = vector.broadcast %lt3A_338 : i1 to vector<16xi1>
      %ne3A_340 = vector.broadcast %ne3A_339 : vector<16xi1> to vector<16xi1>
      %ne3A_341 = arith.xori %lt3A_336, %ne3A_340 : vector<16xi1>
      %and3A_342 = arith.andi %ne3A_341, %ne3A_333 : vector<16xi1>
      %add3A_343 = vector.broadcast %select_n3A_328 : i32 to vector<16xi32>
      %add3A_344 = arith.addi %rem3A_330, %add3A_343 : vector<16xi32>
      %select_n3A_345 = arith.select %and3A_342, %add3A_344, %rem3A_330 : vector<16xi1>, vector<16xi32>
      %mul3A_346 = arith.constant 100000 : i32
      %mul3A_347 = vector.broadcast %mul3A_346 : i32 to vector<16xi32>
      %mul3A_348 = arith.muli %select_n3A_345, %mul3A_347 : vector<16xi32>
      %get3A_349 = arith.index_cast %add3A_321 : i32 to index
      %get3A_350 = tpu.vector_load %arg5[%get3A_349] {strides = array<i32>} : memref<13312xi32, #tpu.memory_space<vmem>>, vector<16xi32>,
      %get3A_351 = vector.shape_cast %get3A_350 : vector<16xi32> to vector<16xi32>
      %add3A_352 = arith.addi %get3A_351, %mul3A_348 : vector<16xi32>
      %swap3A_353 = arith.constant 1 : i32
      %swap3A_354 = arith.index_cast %swap3A_353 : i32 to index
      %swap3A_355 = arith.constant 0 : index
      %swap3A_356 = tpu.vector_load %arg6[%swap3A_354, %swap3A_355] {strides = array<i32>} : memref<2x128xi32, #tpu.memory_space<vmem>>, vector<1x16xi32>,
      %swap3A_357 = vector.shape_cast %swap3A_356 : vector<1x16xi32> to vector<16xi32>
      %swap3A_358 = vector.shape_cast %add3A_352 : vector<16xi32> to vector<1x16xi32>
      tpu.vector_store %arg6[%swap3A_354, %swap3A_355], %swap3A_358 {strides = array<i32>} : memref<2x128xi32, #tpu.memory_space<vmem>>, vector<1x16xi32>,
      %mul3A_359 = arith.constant 128 : i32
      %mul3A_360 = arith.muli %add3A_317, %mul3A_359 : i32
      %add3A_361 = arith.constant 16 : i32
      %add3A_362 = arith.addi %mul3A_360, %add3A_361 : i32
      %add3A_363 = vector.broadcast %add3A_362 : i32 to vector<16xi32>
      %add3A_364 = arith.addi %add3A_363, %iota3A : vector<16xi32>
      %jit3A_365 = arith.constant 26 : i32
      %eq3A_366 = arith.constant 0 : i32
      %eq3A_367 = arith.cmpi eq, %jit3A_365, %eq3A_366 : i32
      %jit3A_368 = arith.constant 1 : i32
      %select_n3A_369 = arith.select %eq3A_367, %jit3A_368, %jit3A_365 : i32
      %rem3A_370 = vector.broadcast %select_n3A_369 : i32 to vector<16xi32>
      %rem3A_371 = arith.remsi %add3A_364, %rem3A_370 : vector<16xi32>
      %ne3A_372 = arith.constant 0 : i32
      %ne3A_373 = vector.broadcast %ne3A_372 : i32 to vector<16xi32>
      %ne3A_374 = arith.cmpi ne, %rem3A_371, %ne3A_373 : vector<16xi32>
      %lt3A_375 = arith.constant 0 : i32
      %lt3A_376 = vector.broadcast %lt3A_375 : i32 to vector<16xi32>
      %lt3A_377 = arith.cmpi slt, %rem3A_371, %lt3A_376 : vector<16xi32>
      %lt3A_378 = arith.constant 0 : i32
      %lt3A_379 = arith.cmpi slt, %select_n3A_369, %lt3A_378 : i32
      %ne3A_380 = vector.broadcast %lt3A_379 : i1 to vector<16xi1>
      %ne3A_381 = vector.broadcast %ne3A_380 : vector<16xi1> to vector<16xi1>
      %ne3A_382 = arith.xori %lt3A_377, %ne3A_381 : vector<16xi1>
      %and3A_383 = arith.andi %ne3A_382, %ne3A_374 : vector<16xi1>
      %add3A_384 = vector.broadcast %select_n3A_369 : i32 to vector<16xi32>
      %add3A_385 = arith.addi %rem3A_371, %add3A_384 : vector<16xi32>
      %select_n3A_386 = arith.select %and3A_383, %add3A_385, %rem3A_371 : vector<16xi1>, vector<16xi32>
      %mul3A_387 = arith.constant 100000 : i32
      %mul3A_388 = vector.broadcast %mul3A_387 : i32 to vector<16xi32>
      %mul3A_389 = arith.muli %select_n3A_386, %mul3A_388 : vector<16xi32>
      %get3A_390 = arith.index_cast %add3A_362 : i32 to index
      %get3A_391 = tpu.vector_load %arg5[%get3A_390] {strides = array<i32>} : memref<13312xi32, #tpu.memory_space<vmem>>, vector<16xi32>,
      %get3A_392 = vector.shape_cast %get3A_391 : vector<16xi32> to vector<16xi32>
      %add3A_393 = arith.addi %get3A_392, %mul3A_389 : vector<16xi32>
      %swap3A_394 = arith.constant 1 : i32
      %swap3A_395 = arith.index_cast %swap3A_394 : i32 to index
      %swap3A_396 = arith.constant 16 : index
      %swap3A_397 = tpu.vector_load %arg6[%swap3A_395, %swap3A_396] {strides = array<i32>} : memref<2x128xi32, #tpu.memory_space<vmem>>, vector<1x16xi32>,
      %swap3A_398 = vector.shape_cast %swap3A_397 : vector<1x16xi32> to vector<16xi32>
      %swap3A_399 = vector.shape_cast %add3A_393 : vector<16xi32> to vector<1x16xi32>
      tpu.vector_store %arg6[%swap3A_395, %swap3A_396], %swap3A_399 {strides = array<i32>} : memref<2x128xi32, #tpu.memory_space<vmem>>, vector<1x16xi32>,
      %mul3A_400 = arith.constant 128 : i32
      %mul3A_401 = arith.muli %add3A_317, %mul3A_400 : i32
      %add3A_402 = arith.constant 32 : i32
      %add3A_403 = arith.addi %mul3A_401, %add3A_402 : i32
      %add3A_404 = vector.broadcast %add3A_403 : i32 to vector<16xi32>
      %add3A_405 = arith.addi %add3A_404, %iota3A : vector<16xi32>
      %jit3A_406 = arith.constant 26 : i32
      %eq3A_407 = arith.constant 0 : i32
      %eq3A_408 = arith.cmpi eq, %jit3A_406, %eq3A_407 : i32
      %jit3A_409 = arith.constant 1 : i32
      %select_n3A_410 = arith.select %eq3A_408, %jit3A_409, %jit3A_406 : i32
      %rem3A_411 = vector.broadcast %select_n3A_410 : i32 to vector<16xi32>
      %rem3A_412 = arith.remsi %add3A_405, %rem3A_411 : vector<16xi32>
      %ne3A_413 = arith.constant 0 : i32
      %ne3A_414 = vector.broadcast %ne3A_413 : i32 to vector<16xi32>
      %ne3A_415 = arith.cmpi ne, %rem3A_412, %ne3A_414 : vector<16xi32>
      %lt3A_416 = arith.constant 0 : i32
      %lt3A_417 = vector.broadcast %lt3A_416 : i32 to vector<16xi32>
      %lt3A_418 = arith.cmpi slt, %rem3A_412, %lt3A_417 : vector<16xi32>
      %lt3A_419 = arith.constant 0 : i32
      %lt3A_420 = arith.cmpi slt, %select_n3A_410, %lt3A_419 : i32
      %ne3A_421 = vector.broadcast %lt3A_420 : i1 to vector<16xi1>
      %ne3A_422 = vector.broadcast %ne3A_421 : vector<16xi1> to vector<16xi1>
      %ne3A_423 = arith.xori %lt3A_418, %ne3A_422 : vector<16xi1>
      %and3A_424 = arith.andi %ne3A_423, %ne3A_415 : vector<16xi1>
      %add3A_425 = vector.broadcast %select_n3A_410 : i32 to vector<16xi32>
      %add3A_426 = arith.addi %rem3A_412, %add3A_425 : vector<16xi32>
      %select_n3A_427 = arith.select %and3A_424, %add3A_426, %rem3A_412 : vector<16xi1>, vector<16xi32>
      %mul3A_428 = arith.constant 100000 : i32
      %mul3A_429 = vector.broadcast %mul3A_428 : i32 to vector<16xi32>
      %mul3A_430 = arith.muli %select_n3A_427, %mul3A_429 : vector<16xi32>
      %get3A_431 = arith.index_cast %add3A_403 : i32 to index
      %get3A_432 = tpu.vector_load %arg5[%get3A_431] {strides = array<i32>} : memref<13312xi32, #tpu.memory_space<vmem>>, vector<16xi32>,
      %get3A_433 = vector.shape_cast %get3A_432 : vector<16xi32> to vector<16xi32>
      %add3A_434 = arith.addi %get3A_433, %mul3A_430 : vector<16xi32>
      %swap3A_435 = arith.constant 1 : i32
      %swap3A_436 = arith.index_cast %swap3A_435 : i32 to index
      %swap3A_437 = arith.constant 32 : index
      %swap3A_438 = tpu.vector_load %arg6[%swap3A_436, %swap3A_437] {strides = array<i32>} : memref<2x128xi32, #tpu.memory_space<vmem>>, vector<1x16xi32>,
      %swap3A_439 = vector.shape_cast %swap3A_438 : vector<1x16xi32> to vector<16xi32>
      %swap3A_440 = vector.shape_cast %add3A_434 : vector<16xi32> to vector<1x16xi32>
      tpu.vector_store %arg6[%swap3A_436, %swap3A_437], %swap3A_440 {strides = array<i32>} : memref<2x128xi32, #tpu.memory_space<vmem>>, vector<1x16xi32>,
      %mul3A_441 = arith.constant 128 : i32
      %mul3A_442 = arith.muli %add3A_317, %mul3A_441 : i32
      %add3A_443 = arith.constant 48 : i32
      %add3A_444 = arith.addi %mul3A_442, %add3A_443 : i32
      %add3A_445 = vector.broadcast %add3A_444 : i32 to vector<16xi32>
      %add3A_446 = arith.addi %add3A_445, %iota3A : vector<16xi32>
      %jit3A_447 = arith.constant 26 : i32
      %eq3A_448 = arith.constant 0 : i32
      %eq3A_449 = arith.cmpi eq, %jit3A_447, %eq3A_448 : i32
      %jit3A_450 = arith.constant 1 : i32
      %select_n3A_451 = arith.select %eq3A_449, %jit3A_450, %jit3A_447 : i32
      %rem3A_452 = vector.broadcast %select_n3A_451 : i32 to vector<16xi32>
      %rem3A_453 = arith.remsi %add3A_446, %rem3A_452 : vector<16xi32>
      %ne3A_454 = arith.constant 0 : i32
      %ne3A_455 = vector.broadcast %ne3A_454 : i32 to vector<16xi32>
      %ne3A_456 = arith.cmpi ne, %rem3A_453, %ne3A_455 : vector<16xi32>
      %lt3A_457 = arith.constant 0 : i32
      %lt3A_458 = vector.broadcast %lt3A_457 : i32 to vector<16xi32>
      %lt3A_459 = arith.cmpi slt, %rem3A_453, %lt3A_458 : vector<16xi32>
      %lt3A_460 = arith.constant 0 : i32
      %lt3A_461 = arith.cmpi slt, %select_n3A_451, %lt3A_460 : i32
      %ne3A_462 = vector.broadcast %lt3A_461 : i1 to vector<16xi1>
      %ne3A_463 = vector.broadcast %ne3A_462 : vector<16xi1> to vector<16xi1>
      %ne3A_464 = arith.xori %lt3A_459, %ne3A_463 : vector<16xi1>
      %and3A_465 = arith.andi %ne3A_464, %ne3A_456 : vector<16xi1>
      %add3A_466 = vector.broadcast %select_n3A_451 : i32 to vector<16xi32>
      %add3A_467 = arith.addi %rem3A_453, %add3A_466 : vector<16xi32>
      %select_n3A_468 = arith.select %and3A_465, %add3A_467, %rem3A_453 : vector<16xi1>, vector<16xi32>
      %mul3A_469 = arith.constant 100000 : i32
      %mul3A_470 = vector.broadcast %mul3A_469 : i32 to vector<16xi32>
      %mul3A_471 = arith.muli %select_n3A_468, %mul3A_470 : vector<16xi32>
      %get3A_472 = arith.index_cast %add3A_444 : i32 to index
      %get3A_473 = tpu.vector_load %arg5[%get3A_472] {strides = array<i32>} : memref<13312xi32, #tpu.memory_space<vmem>>, vector<16xi32>,
      %get3A_474 = vector.shape_cast %get3A_473 : vector<16xi32> to vector<16xi32>
      %add3A_475 = arith.addi %get3A_474, %mul3A_471 : vector<16xi32>
      %swap3A_476 = arith.constant 1 : i32
      %swap3A_477 = arith.index_cast %swap3A_476 : i32 to index
      %swap3A_478 = arith.constant 48 : index
      %swap3A_479 = tpu.vector_load %arg6[%swap3A_477, %swap3A_478] {strides = array<i32>} : memref<2x128xi32, #tpu.memory_space<vmem>>, vector<1x16xi32>,
      %swap3A_480 = vector.shape_cast %swap3A_479 : vector<1x16xi32> to vector<16xi32>
      %swap3A_481 = vector.shape_cast %add3A_475 : vector<16xi32> to vector<1x16xi32>
      tpu.vector_store %arg6[%swap3A_477, %swap3A_478], %swap3A_481 {strides = array<i32>} : memref<2x128xi32, #tpu.memory_space<vmem>>, vector<1x16xi32>,
      %mul3A_482 = arith.constant 128 : i32
      %mul3A_483 = arith.muli %add3A_317, %mul3A_482 : i32
      %add3A_484 = arith.constant 64 : i32
      %add3A_485 = arith.addi %mul3A_483, %add3A_484 : i32
      %add3A_486 = vector.broadcast %add3A_485 : i32 to vector<16xi32>
      %add3A_487 = arith.addi %add3A_486, %iota3A : vector<16xi32>
      %jit3A_488 = arith.constant 26 : i32
      %eq3A_489 = arith.constant 0 : i32
      %eq3A_490 = arith.cmpi eq, %jit3A_488, %eq3A_489 : i32
      %jit3A_491 = arith.constant 1 : i32
      %select_n3A_492 = arith.select %eq3A_490, %jit3A_491, %jit3A_488 : i32
      %rem3A_493 = vector.broadcast %select_n3A_492 : i32 to vector<16xi32>
      %rem3A_494 = arith.remsi %add3A_487, %rem3A_493 : vector<16xi32>
      %ne3A_495 = arith.constant 0 : i32
      %ne3A_496 = vector.broadcast %ne3A_495 : i32 to vector<16xi32>
      %ne3A_497 = arith.cmpi ne, %rem3A_494, %ne3A_496 : vector<16xi32>
      %lt3A_498 = arith.constant 0 : i32
      %lt3A_499 = vector.broadcast %lt3A_498 : i32 to vector<16xi32>
      %lt3A_500 = arith.cmpi slt, %rem3A_494, %lt3A_499 : vector<16xi32>
      %lt3A_501 = arith.constant 0 : i32
      %lt3A_502 = arith.cmpi slt, %select_n3A_492, %lt3A_501 : i32
      %ne3A_503 = vector.broadcast %lt3A_502 : i1 to vector<16xi1>
      %ne3A_504 = vector.broadcast %ne3A_503 : vector<16xi1> to vector<16xi1>
      %ne3A_505 = arith.xori %lt3A_500, %ne3A_504 : vector<16xi1>
      %and3A_506 = arith.andi %ne3A_505, %ne3A_497 : vector<16xi1>
      %add3A_507 = vector.broadcast %select_n3A_492 : i32 to vector<16xi32>
      %add3A_508 = arith.addi %rem3A_494, %add3A_507 : vector<16xi32>
      %select_n3A_509 = arith.select %and3A_506, %add3A_508, %rem3A_494 : vector<16xi1>, vector<16xi32>
      %mul3A_510 = arith.constant 100000 : i32
      %mul3A_511 = vector.broadcast %mul3A_510 : i32 to vector<16xi32>
      %mul3A_512 = arith.muli %select_n3A_509, %mul3A_511 : vector<16xi32>
      %get3A_513 = arith.index_cast %add3A_485 : i32 to index
      %get3A_514 = tpu.vector_load %arg5[%get3A_513] {strides = array<i32>} : memref<13312xi32, #tpu.memory_space<vmem>>, vector<16xi32>,
      %get3A_515 = vector.shape_cast %get3A_514 : vector<16xi32> to vector<16xi32>
      %add3A_516 = arith.addi %get3A_515, %mul3A_512 : vector<16xi32>
      %swap3A_517 = arith.constant 1 : i32
      %swap3A_518 = arith.index_cast %swap3A_517 : i32 to index
      %swap3A_519 = arith.constant 64 : index
      %swap3A_520 = tpu.vector_load %arg6[%swap3A_518, %swap3A_519] {strides = array<i32>} : memref<2x128xi32, #tpu.memory_space<vmem>>, vector<1x16xi32>,
      %swap3A_521 = vector.shape_cast %swap3A_520 : vector<1x16xi32> to vector<16xi32>
      %swap3A_522 = vector.shape_cast %add3A_516 : vector<16xi32> to vector<1x16xi32>
      tpu.vector_store %arg6[%swap3A_518, %swap3A_519], %swap3A_522 {strides = array<i32>} : memref<2x128xi32, #tpu.memory_space<vmem>>, vector<1x16xi32>,
      %mul3A_523 = arith.constant 128 : i32
      %mul3A_524 = arith.muli %add3A_317, %mul3A_523 : i32
      %add3A_525 = arith.constant 80 : i32
      %add3A_526 = arith.addi %mul3A_524, %add3A_525 : i32
      %add3A_527 = vector.broadcast %add3A_526 : i32 to vector<16xi32>
      %add3A_528 = arith.addi %add3A_527, %iota3A : vector<16xi32>
      %jit3A_529 = arith.constant 26 : i32
      %eq3A_530 = arith.constant 0 : i32
      %eq3A_531 = arith.cmpi eq, %jit3A_529, %eq3A_530 : i32
      %jit3A_532 = arith.constant 1 : i32
      %select_n3A_533 = arith.select %eq3A_531, %jit3A_532, %jit3A_529 : i32
      %rem3A_534 = vector.broadcast %select_n3A_533 : i32 to vector<16xi32>
      %rem3A_535 = arith.remsi %add3A_528, %rem3A_534 : vector<16xi32>
      %ne3A_536 = arith.constant 0 : i32
      %ne3A_537 = vector.broadcast %ne3A_536 : i32 to vector<16xi32>
      %ne3A_538 = arith.cmpi ne, %rem3A_535, %ne3A_537 : vector<16xi32>
      %lt3A_539 = arith.constant 0 : i32
      %lt3A_540 = vector.broadcast %lt3A_539 : i32 to vector<16xi32>
      %lt3A_541 = arith.cmpi slt, %rem3A_535, %lt3A_540 : vector<16xi32>
      %lt3A_542 = arith.constant 0 : i32
      %lt3A_543 = arith.cmpi slt, %select_n3A_533, %lt3A_542 : i32
      %ne3A_544 = vector.broadcast %lt3A_543 : i1 to vector<16xi1>
      %ne3A_545 = vector.broadcast %ne3A_544 : vector<16xi1> to vector<16xi1>
      %ne3A_546 = arith.xori %lt3A_541, %ne3A_545 : vector<16xi1>
      %and3A_547 = arith.andi %ne3A_546, %ne3A_538 : vector<16xi1>
      %add3A_548 = vector.broadcast %select_n3A_533 : i32 to vector<16xi32>
      %add3A_549 = arith.addi %rem3A_535, %add3A_548 : vector<16xi32>
      %select_n3A_550 = arith.select %and3A_547, %add3A_549, %rem3A_535 : vector<16xi1>, vector<16xi32>
      %mul3A_551 = arith.constant 100000 : i32
      %mul3A_552 = vector.broadcast %mul3A_551 : i32 to vector<16xi32>
      %mul3A_553 = arith.muli %select_n3A_550, %mul3A_552 : vector<16xi32>
      %get3A_554 = arith.index_cast %add3A_526 : i32 to index
      %get3A_555 = tpu.vector_load %arg5[%get3A_554] {strides = array<i32>} : memref<13312xi32, #tpu.memory_space<vmem>>, vector<16xi32>,
      %get3A_556 = vector.shape_cast %get3A_555 : vector<16xi32> to vector<16xi32>
      %add3A_557 = arith.addi %get3A_556, %mul3A_553 : vector<16xi32>
      %swap3A_558 = arith.constant 1 : i32
      %swap3A_559 = arith.index_cast %swap3A_558 : i32 to index
      %swap3A_560 = arith.constant 80 : index
      %swap3A_561 = tpu.vector_load %arg6[%swap3A_559, %swap3A_560] {strides = array<i32>} : memref<2x128xi32, #tpu.memory_space<vmem>>, vector<1x16xi32>,
      %swap3A_562 = vector.shape_cast %swap3A_561 : vector<1x16xi32> to vector<16xi32>
      %swap3A_563 = vector.shape_cast %add3A_557 : vector<16xi32> to vector<1x16xi32>
      tpu.vector_store %arg6[%swap3A_559, %swap3A_560], %swap3A_563 {strides = array<i32>} : memref<2x128xi32, #tpu.memory_space<vmem>>, vector<1x16xi32>,
      %mul3A_564 = arith.constant 128 : i32
      %mul3A_565 = arith.muli %add3A_317, %mul3A_564 : i32
      %add3A_566 = arith.constant 96 : i32
      %add3A_567 = arith.addi %mul3A_565, %add3A_566 : i32
      %add3A_568 = vector.broadcast %add3A_567 : i32 to vector<16xi32>
      %add3A_569 = arith.addi %add3A_568, %iota3A : vector<16xi32>
      %jit3A_570 = arith.constant 26 : i32
      %eq3A_571 = arith.constant 0 : i32
      %eq3A_572 = arith.cmpi eq, %jit3A_570, %eq3A_571 : i32
      %jit3A_573 = arith.constant 1 : i32
      %select_n3A_574 = arith.select %eq3A_572, %jit3A_573, %jit3A_570 : i32
      %rem3A_575 = vector.broadcast %select_n3A_574 : i32 to vector<16xi32>
      %rem3A_576 = arith.remsi %add3A_569, %rem3A_575 : vector<16xi32>
      %ne3A_577 = arith.constant 0 : i32
      %ne3A_578 = vector.broadcast %ne3A_577 : i32 to vector<16xi32>
      %ne3A_579 = arith.cmpi ne, %rem3A_576, %ne3A_578 : vector<16xi32>
      %lt3A_580 = arith.constant 0 : i32
      %lt3A_581 = vector.broadcast %lt3A_580 : i32 to vector<16xi32>
      %lt3A_582 = arith.cmpi slt, %rem3A_576, %lt3A_581 : vector<16xi32>
      %lt3A_583 = arith.constant 0 : i32
      %lt3A_584 = arith.cmpi slt, %select_n3A_574, %lt3A_583 : i32
      %ne3A_585 = vector.broadcast %lt3A_584 : i1 to vector<16xi1>
      %ne3A_586 = vector.broadcast %ne3A_585 : vector<16xi1> to vector<16xi1>
      %ne3A_587 = arith.xori %lt3A_582, %ne3A_586 : vector<16xi1>
      %and3A_588 = arith.andi %ne3A_587, %ne3A_579 : vector<16xi1>
      %add3A_589 = vector.broadcast %select_n3A_574 : i32 to vector<16xi32>
      %add3A_590 = arith.addi %rem3A_576, %add3A_589 : vector<16xi32>
      %select_n3A_591 = arith.select %and3A_588, %add3A_590, %rem3A_576 : vector<16xi1>, vector<16xi32>
      %mul3A_592 = arith.constant 100000 : i32
      %mul3A_593 = vector.broadcast %mul3A_592 : i32 to vector<16xi32>
      %mul3A_594 = arith.muli %select_n3A_591, %mul3A_593 : vector<16xi32>
      %get3A_595 = arith.index_cast %add3A_567 : i32 to index
      %get3A_596 = tpu.vector_load %arg5[%get3A_595] {strides = array<i32>} : memref<13312xi32, #tpu.memory_space<vmem>>, vector<16xi32>,
      %get3A_597 = vector.shape_cast %get3A_596 : vector<16xi32> to vector<16xi32>
      %add3A_598 = arith.addi %get3A_597, %mul3A_594 : vector<16xi32>
      %swap3A_599 = arith.constant 1 : i32
      %swap3A_600 = arith.index_cast %swap3A_599 : i32 to index
      %swap3A_601 = arith.constant 96 : index
      %swap3A_602 = tpu.vector_load %arg6[%swap3A_600, %swap3A_601] {strides = array<i32>} : memref<2x128xi32, #tpu.memory_space<vmem>>, vector<1x16xi32>,
      %swap3A_603 = vector.shape_cast %swap3A_602 : vector<1x16xi32> to vector<16xi32>
      %swap3A_604 = vector.shape_cast %add3A_598 : vector<16xi32> to vector<1x16xi32>
      tpu.vector_store %arg6[%swap3A_600, %swap3A_601], %swap3A_604 {strides = array<i32>} : memref<2x128xi32, #tpu.memory_space<vmem>>, vector<1x16xi32>,
      %mul3A_605 = arith.constant 128 : i32
      %mul3A_606 = arith.muli %add3A_317, %mul3A_605 : i32
      %add3A_607 = arith.constant 112 : i32
      %add3A_608 = arith.addi %mul3A_606, %add3A_607 : i32
      %add3A_609 = vector.broadcast %add3A_608 : i32 to vector<16xi32>
      %add3A_610 = arith.addi %add3A_609, %iota3A : vector<16xi32>
      %jit3A_611 = arith.constant 26 : i32
      %eq3A_612 = arith.constant 0 : i32
      %eq3A_613 = arith.cmpi eq, %jit3A_611, %eq3A_612 : i32
      %jit3A_614 = arith.constant 1 : i32
      %select_n3A_615 = arith.select %eq3A_613, %jit3A_614, %jit3A_611 : i32
      %rem3A_616 = vector.broadcast %select_n3A_615 : i32 to vector<16xi32>
      %rem3A_617 = arith.remsi %add3A_610, %rem3A_616 : vector<16xi32>
      %ne3A_618 = arith.constant 0 : i32
      %ne3A_619 = vector.broadcast %ne3A_618 : i32 to vector<16xi32>
      %ne3A_620 = arith.cmpi ne, %rem3A_617, %ne3A_619 : vector<16xi32>
      %lt3A_621 = arith.constant 0 : i32
      %lt3A_622 = vector.broadcast %lt3A_621 : i32 to vector<16xi32>
      %lt3A_623 = arith.cmpi slt, %rem3A_617, %lt3A_622 : vector<16xi32>
      %lt3A_624 = arith.constant 0 : i32
      %lt3A_625 = arith.cmpi slt, %select_n3A_615, %lt3A_624 : i32
      %ne3A_626 = vector.broadcast %lt3A_625 : i1 to vector<16xi1>
      %ne3A_627 = vector.broadcast %ne3A_626 : vector<16xi1> to vector<16xi1>
      %ne3A_628 = arith.xori %lt3A_623, %ne3A_627 : vector<16xi1>
      %and3A_629 = arith.andi %ne3A_628, %ne3A_620 : vector<16xi1>
      %add3A_630 = vector.broadcast %select_n3A_615 : i32 to vector<16xi32>
      %add3A_631 = arith.addi %rem3A_617, %add3A_630 : vector<16xi32>
      %select_n3A_632 = arith.select %and3A_629, %add3A_631, %rem3A_617 : vector<16xi1>, vector<16xi32>
      %mul3A_633 = arith.constant 100000 : i32
      %mul3A_634 = vector.broadcast %mul3A_633 : i32 to vector<16xi32>
      %mul3A_635 = arith.muli %select_n3A_632, %mul3A_634 : vector<16xi32>
      %get3A_636 = arith.index_cast %add3A_608 : i32 to index
      %get3A_637 = tpu.vector_load %arg5[%get3A_636] {strides = array<i32>} : memref<13312xi32, #tpu.memory_space<vmem>>, vector<16xi32>,
      %get3A_638 = vector.shape_cast %get3A_637 : vector<16xi32> to vector<16xi32>
      %add3A_639 = arith.addi %get3A_638, %mul3A_635 : vector<16xi32>
      %swap3A_640 = arith.constant 1 : i32
      %swap3A_641 = arith.index_cast %swap3A_640 : i32 to index
      %swap3A_642 = arith.constant 112 : index
      %swap3A_643 = tpu.vector_load %arg6[%swap3A_641, %swap3A_642] {strides = array<i32>} : memref<2x128xi32, #tpu.memory_space<vmem>>, vector<1x16xi32>,
      %swap3A_644 = vector.shape_cast %swap3A_643 : vector<1x16xi32> to vector<16xi32>
      %swap3A_645 = vector.shape_cast %add3A_639 : vector<16xi32> to vector<1x16xi32>
      tpu.vector_store %arg6[%swap3A_641, %swap3A_642], %swap3A_645 {strides = array<i32>} : memref<2x128xi32, #tpu.memory_space<vmem>>, vector<1x16xi32>,
      %dma_start3A_646 = arith.constant 1 : i32
      %dma_start3A_647 = arith.constant 1 : i32
      %dma_start3A_648 = arith.constant 0 : i32
      %dma_start3A_649 = arith.constant 0 : i32
      %dma_start3A_650 = tpu.memref_slice %arg7[%dma_start3A_647, %dma_start3A_648, %dma_start3A_649] : memref<2x128x32xf32, #tpu.memory_space<vmem>> -> memref<1x128x32xf32, #tpu.memory_space<vmem>>
      %dma_start3A_651 = tpu.memref_squeeze %dma_start3A_650 : memref<1x128x32xf32, #tpu.memory_space<vmem>> -> memref<128x32xf32, #tpu.memory_space<vmem>>
      %dma_start3A_652 = arith.constant 0 : i32
      %dma_start3A_653 = tpu.memref_slice %arg6[%dma_start3A_646, %dma_start3A_652] : memref<2x128xi32, #tpu.memory_space<vmem>> -> memref<1x128xi32, #tpu.memory_space<vmem>>
      %dma_start3A_654 = tpu.memref_squeeze %dma_start3A_653 : memref<1x128xi32, #tpu.memory_space<vmem>> -> memref<128xi32, #tpu.memory_space<vmem>>
      %dma_start3A_655 = arith.constant 0 : i32
      %dma_start3A_656 = arith.constant 0 : i32
      %dma_start3A_657 = tpu.memref_slice %arg2[%dma_start3A_655, %dma_start3A_656] : memref<2600000x32xf32, #tpu.memory_space<hbm>> -> memref<2600000x32xf32, #tpu.memory_space<hbm>>
      tpu.enqueue_indirect_dma source(%dma_start3A_657 : memref<2600000x32xf32, #tpu.memory_space<hbm>>) target(%dma_start3A_651 : memref<128x32xf32, #tpu.memory_space<vmem>>) offsets(%dma_start3A_654 : memref<128xi32, #tpu.memory_space<vmem>>) semaphore(%arg9 : memref<!tpu.dma_semaphore, #tpu.memory_space<semaphore_mem>>)
      %dma_wait3A = arith.constant 0 : i32
      %dma_wait3A_658 = arith.constant 0 : i32
      %dma_wait3A_659 = arith.constant 0 : i32
      %dma_wait3A_660 = arith.constant 0 : i32
      %dma_wait3A_661 = tpu.memref_slice %arg7[%dma_wait3A_658, %dma_wait3A_659, %dma_wait3A_660] : memref<2x128x32xf32, #tpu.memory_space<vmem>> -> memref<1x128x32xf32, #tpu.memory_space<vmem>>
      %dma_wait3A_662 = tpu.memref_squeeze %dma_wait3A_661 : memref<1x128x32xf32, #tpu.memory_space<vmem>> -> memref<128x32xf32, #tpu.memory_space<vmem>>
      %dma_wait3A_663 = arith.constant 0 : i32
      %dma_wait3A_664 = tpu.memref_slice %arg6[%dma_wait3A, %dma_wait3A_663] : memref<2x128xi32, #tpu.memory_space<vmem>> -> memref<1x128xi32, #tpu.memory_space<vmem>>
      %dma_wait3A_665 = tpu.memref_squeeze %dma_wait3A_664 : memref<1x128xi32, #tpu.memory_space<vmem>> -> memref<128xi32, #tpu.memory_space<vmem>>
      %dma_wait3A_666 = arith.constant 0 : i32
      %dma_wait3A_667 = arith.constant 0 : i32
      %dma_wait3A_668 = tpu.memref_slice %arg2[%dma_wait3A_666, %dma_wait3A_667] : memref<2600000x32xf32, #tpu.memory_space<hbm>> -> memref<2600000x32xf32, #tpu.memory_space<hbm>>
      tpu.wait_indirect_dma semaphore(%arg8 : memref<!tpu.dma_semaphore, #tpu.memory_space<semaphore_mem>>) src(%dma_wait3A_668 : memref<2600000x32xf32, #tpu.memory_space<hbm>>) dst(%dma_wait3A_662 : memref<128x32xf32, #tpu.memory_space<vmem>>)
      %jit3A_669 = arith.constant 128 : i32
      %div3A = arith.divsi %mul3A_2, %jit3A_669 : i32
      %sign3A = arith.constant 0 : i32
      %sign3A_670 = arith.cmpi sgt, %mul3A_2, %sign3A : i32
      %sign3A_671 = arith.extui %sign3A_670 : i1 to i32
      %sign3A_672 = arith.constant 0 : i32
      %sign3A_673 = arith.cmpi slt, %mul3A_2, %sign3A_672 : i32
      %sign3A_674 = arith.extui %sign3A_673 : i1 to i32
      %sign3A_675 = arith.subi %sign3A_671, %sign3A_674 : i32
      %sign3A_676 = arith.constant 0 : i32
      %sign3A_677 = arith.cmpi sgt, %jit3A_669, %sign3A_676 : i32
      %sign3A_678 = arith.extui %sign3A_677 : i1 to i32
      %sign3A_679 = arith.constant 0 : i32
      %sign3A_680 = arith.cmpi slt, %jit3A_669, %sign3A_679 : i32
      %sign3A_681 = arith.extui %sign3A_680 : i1 to i32
      %sign3A_682 = arith.subi %sign3A_678, %sign3A_681 : i32
      %ne3A_683 = arith.cmpi ne, %sign3A_675, %sign3A_682 : i32
      %rem3A_684 = arith.remsi %mul3A_2, %jit3A_669 : i32
      %ne3A_685 = arith.constant 0 : i32
      %ne3A_686 = arith.cmpi ne, %rem3A_684, %ne3A_685 : i32
      %and3A_687 = arith.andi %ne3A_683, %ne3A_686 : i1
      %sub3A = arith.constant 1 : i32
      %sub3A_688 = arith.subi %div3A, %sub3A : i32
      %select_n3A_689 = arith.select %and3A_687, %sub3A_688, %div3A : i32
      %add3A_690 = arith.addi %select_n3A_689, %mul3A_315 : i32
      %run_scoped3A = arith.constant 0 : i32
      "tpu.region"() ({
        %run_scoped3A_736 = tpu.sem_alloc : memref<!tpu.dma_semaphore, #tpu.memory_space<semaphore_mem>>
        %dma_start3A_737 = arith.constant 0 : i32
        %dma_start3A_738 = arith.constant 0 : i32
        %dma_start3A_739 = tpu.memref_slice %arg7[%run_scoped3A, %dma_start3A_737, %dma_start3A_738] : memref<2x128x32xf32, #tpu.memory_space<vmem>> -> memref<1x128x32xf32, #tpu.memory_space<vmem>>
        %dma_start3A_740 = tpu.memref_squeeze %dma_start3A_739 : memref<1x128x32xf32, #tpu.memory_space<vmem>> -> memref<128x32xf32, #tpu.memory_space<vmem>>
        %dma_start3A_741 = arith.constant 0 : i32
        %dma_start3A_742 = arith.constant 0 : i32
        %dma_start3A_743 = tpu.memref_slice %arg4[%add3A_690, %dma_start3A_741, %dma_start3A_742] : memref<3328x128x32xf32, #tpu.memory_space<hbm>> -> memref<1x128x32xf32, #tpu.memory_space<hbm>>
        %dma_start3A_744 = tpu.memref_squeeze %dma_start3A_743 : memref<1x128x32xf32, #tpu.memory_space<hbm>> -> memref<128x32xf32, #tpu.memory_space<hbm>>
        %dma_start3A_745 = arith.constant 0 : i32
        %dma_start3A_746 = arith.constant 0 : i32
        %dma_start3A_747 = tpu.memref_slice %arg4[%add3A_690, %dma_start3A_745, %dma_start3A_746] : memref<3328x128x32xf32, #tpu.memory_space<hbm>> -> memref<1x128x32xf32, #tpu.memory_space<hbm>>
        %dma_start3A_748 = tpu.memref_squeeze %dma_start3A_747 : memref<1x128x32xf32, #tpu.memory_space<hbm>> -> memref<128x32xf32, #tpu.memory_space<hbm>>
        %dma_start3A_749 = arith.constant 0 : i32
        %dma_start3A_750 = arith.constant 0 : i32
        %dma_start3A_751 = tpu.memref_slice %arg7[%run_scoped3A, %dma_start3A_749, %dma_start3A_750] : memref<2x128x32xf32, #tpu.memory_space<vmem>> -> memref<1x128x32xf32, #tpu.memory_space<vmem>>
        %dma_start3A_752 = tpu.memref_squeeze %dma_start3A_751 : memref<1x128x32xf32, #tpu.memory_space<vmem>> -> memref<128x32xf32, #tpu.memory_space<vmem>>
        tpu.enqueue_dma source(%dma_start3A_752 : memref<128x32xf32, #tpu.memory_space<vmem>>) target(%dma_start3A_748 : memref<128x32xf32, #tpu.memory_space<hbm>>) target_semaphore(%run_scoped3A_736 : memref<!tpu.dma_semaphore, #tpu.memory_space<semaphore_mem>>)
        %dma_wait3A_753 = arith.constant 0 : i32
        %dma_wait3A_754 = arith.constant 0 : i32
        %dma_wait3A_755 = tpu.memref_slice %arg7[%run_scoped3A, %dma_wait3A_753, %dma_wait3A_754] : memref<2x128x32xf32, #tpu.memory_space<vmem>> -> memref<1x128x32xf32, #tpu.memory_space<vmem>>
        %dma_wait3A_756 = tpu.memref_squeeze %dma_wait3A_755 : memref<1x128x32xf32, #tpu.memory_space<vmem>> -> memref<128x32xf32, #tpu.memory_space<vmem>>
        %dma_wait3A_757 = arith.constant 0 : i32
        %dma_wait3A_758 = arith.constant 0 : i32
        %dma_wait3A_759 = tpu.memref_slice %arg4[%add3A_690, %dma_wait3A_757, %dma_wait3A_758] : memref<3328x128x32xf32, #tpu.memory_space<hbm>> -> memref<1x128x32xf32, #tpu.memory_space<hbm>>
        %dma_wait3A_760 = tpu.memref_squeeze %dma_wait3A_759 : memref<1x128x32xf32, #tpu.memory_space<hbm>> -> memref<128x32xf32, #tpu.memory_space<hbm>>
        %dma_wait3A_761 = arith.constant 0 : i32
        %dma_wait3A_762 = arith.constant 0 : i32
        %dma_wait3A_763 = tpu.memref_slice %arg4[%add3A_690, %dma_wait3A_761, %dma_wait3A_762] : memref<3328x128x32xf32, #tpu.memory_space<hbm>> -> memref<1x128x32xf32, #tpu.memory_space<hbm>>
        %dma_wait3A_764 = tpu.memref_squeeze %dma_wait3A_763 : memref<1x128x32xf32, #tpu.memory_space<hbm>> -> memref<128x32xf32, #tpu.memory_space<hbm>>
        %dma_wait3A_765 = arith.constant 0 : i32
        %dma_wait3A_766 = arith.constant 0 : i32
        %dma_wait3A_767 = tpu.memref_slice %arg7[%run_scoped3A, %dma_wait3A_765, %dma_wait3A_766] : memref<2x128x32xf32, #tpu.memory_space<vmem>> -> memref<1x128x32xf32, #tpu.memory_space<vmem>>
        %dma_wait3A_768 = tpu.memref_squeeze %dma_wait3A_767 : memref<1x128x32xf32, #tpu.memory_space<vmem>> -> memref<128x32xf32, #tpu.memory_space<vmem>>
        tpu.wait_dma2 semaphore(%run_scoped3A_736 : memref<!tpu.dma_semaphore, #tpu.memory_space<semaphore_mem>>) src(%dma_wait3A_768 : memref<128x32xf32, #tpu.memory_space<vmem>>) dst(%dma_wait3A_764 : memref<128x32xf32, #tpu.memory_space<hbm>>)
        tpu.yield
      }) : () -> ()
      %add3A_691 = arith.constant 1 : i32
      %add3A_692 = arith.addi %scan3A_313, %add3A_691 : i32
      %lt3A_693 = arith.constant 52 : i32
      %lt3A_694 = arith.cmpi slt, %add3A_692, %lt3A_693 : i32
      %convert_element_type3A = arith.extui %lt3A_694 : i1 to i32
      %cond3A = arith.constant 0 : i32
      %cond3A_695 = arith.cmpi ne, %convert_element_type3A, %cond3A : i32
      scf.if %cond3A_695 {
        %add3A_736 = arith.constant 2 : i32
        %add3A_737 = arith.addi %mul3A_315, %add3A_736 : i32
        %mul3A_738 = arith.constant 128 : i32
        %mul3A_739 = arith.muli %add3A_737, %mul3A_738 : i32
        %add3A_740 = arith.constant 0 : i32
        %add3A_741 = arith.addi %mul3A_739, %add3A_740 : i32
        %add3A_742 = vector.broadcast %add3A_741 : i32 to vector<16xi32>
        %add3A_743 = arith.addi %add3A_742, %iota3A : vector<16xi32>
        %jit3A_744 = arith.constant 26 : i32
        %eq3A_745 = arith.constant 0 : i32
        %eq3A_746 = arith.cmpi eq, %jit3A_744, %eq3A_745 : i32
        %jit3A_747 = arith.constant 1 : i32
        %select_n3A_748 = arith.select %eq3A_746, %jit3A_747, %jit3A_744 : i32
        %rem3A_749 = vector.broadcast %select_n3A_748 : i32 to vector<16xi32>
        %rem3A_750 = arith.remsi %add3A_743, %rem3A_749 : vector<16xi32>
        %ne3A_751 = arith.constant 0 : i32
        %ne3A_752 = vector.broadcast %ne3A_751 : i32 to vector<16xi32>
        %ne3A_753 = arith.cmpi ne, %rem3A_750, %ne3A_752 : vector<16xi32>
        %lt3A_754 = arith.constant 0 : i32
        %lt3A_755 = vector.broadcast %lt3A_754 : i32 to vector<16xi32>
        %lt3A_756 = arith.cmpi slt, %rem3A_750, %lt3A_755 : vector<16xi32>
        %lt3A_757 = arith.constant 0 : i32
        %lt3A_758 = arith.cmpi slt, %select_n3A_748, %lt3A_757 : i32
        %ne3A_759 = vector.broadcast %lt3A_758 : i1 to vector<16xi1>
        %ne3A_760 = vector.broadcast %ne3A_759 : vector<16xi1> to vector<16xi1>
        %ne3A_761 = arith.xori %lt3A_756, %ne3A_760 : vector<16xi1>
        %and3A_762 = arith.andi %ne3A_761, %ne3A_753 : vector<16xi1>
        %add3A_763 = vector.broadcast %select_n3A_748 : i32 to vector<16xi32>
        %add3A_764 = arith.addi %rem3A_750, %add3A_763 : vector<16xi32>
        %select_n3A_765 = arith.select %and3A_762, %add3A_764, %rem3A_750 : vector<16xi1>, vector<16xi32>
        %mul3A_766 = arith.constant 100000 : i32
        %mul3A_767 = vector.broadcast %mul3A_766 : i32 to vector<16xi32>
        %mul3A_768 = arith.muli %select_n3A_765, %mul3A_767 : vector<16xi32>
        %get3A_769 = arith.index_cast %add3A_741 : i32 to index
        %get3A_770 = tpu.vector_load %arg5[%get3A_769] {strides = array<i32>} : memref<13312xi32, #tpu.memory_space<vmem>>, vector<16xi32>,
        %get3A_771 = vector.shape_cast %get3A_770 : vector<16xi32> to vector<16xi32>
        %add3A_772 = arith.addi %get3A_771, %mul3A_768 : vector<16xi32>
        %swap3A_773 = arith.constant 0 : i32
        %swap3A_774 = arith.index_cast %swap3A_773 : i32 to index
        %swap3A_775 = arith.constant 0 : index
        %swap3A_776 = tpu.vector_load %arg6[%swap3A_774, %swap3A_775] {strides = array<i32>} : memref<2x128xi32, #tpu.memory_space<vmem>>, vector<1x16xi32>,
        %swap3A_777 = vector.shape_cast %swap3A_776 : vector<1x16xi32> to vector<16xi32>
        %swap3A_778 = vector.shape_cast %add3A_772 : vector<16xi32> to vector<1x16xi32>
        tpu.vector_store %arg6[%swap3A_774, %swap3A_775], %swap3A_778 {strides = array<i32>} : memref<2x128xi32, #tpu.memory_space<vmem>>, vector<1x16xi32>,
        %mul3A_779 = arith.constant 128 : i32
        %mul3A_780 = arith.muli %add3A_737, %mul3A_779 : i32
        %add3A_781 = arith.constant 16 : i32
        %add3A_782 = arith.addi %mul3A_780, %add3A_781 : i32
        %add3A_783 = vector.broadcast %add3A_782 : i32 to vector<16xi32>
        %add3A_784 = arith.addi %add3A_783, %iota3A : vector<16xi32>
        %jit3A_785 = arith.constant 26 : i32
        %eq3A_786 = arith.constant 0 : i32
        %eq3A_787 = arith.cmpi eq, %jit3A_785, %eq3A_786 : i32
        %jit3A_788 = arith.constant 1 : i32
        %select_n3A_789 = arith.select %eq3A_787, %jit3A_788, %jit3A_785 : i32
        %rem3A_790 = vector.broadcast %select_n3A_789 : i32 to vector<16xi32>
        %rem3A_791 = arith.remsi %add3A_784, %rem3A_790 : vector<16xi32>
        %ne3A_792 = arith.constant 0 : i32
        %ne3A_793 = vector.broadcast %ne3A_792 : i32 to vector<16xi32>
        %ne3A_794 = arith.cmpi ne, %rem3A_791, %ne3A_793 : vector<16xi32>
        %lt3A_795 = arith.constant 0 : i32
        %lt3A_796 = vector.broadcast %lt3A_795 : i32 to vector<16xi32>
        %lt3A_797 = arith.cmpi slt, %rem3A_791, %lt3A_796 : vector<16xi32>
        %lt3A_798 = arith.constant 0 : i32
        %lt3A_799 = arith.cmpi slt, %select_n3A_789, %lt3A_798 : i32
        %ne3A_800 = vector.broadcast %lt3A_799 : i1 to vector<16xi1>
        %ne3A_801 = vector.broadcast %ne3A_800 : vector<16xi1> to vector<16xi1>
        %ne3A_802 = arith.xori %lt3A_797, %ne3A_801 : vector<16xi1>
        %and3A_803 = arith.andi %ne3A_802, %ne3A_794 : vector<16xi1>
        %add3A_804 = vector.broadcast %select_n3A_789 : i32 to vector<16xi32>
        %add3A_805 = arith.addi %rem3A_791, %add3A_804 : vector<16xi32>
        %select_n3A_806 = arith.select %and3A_803, %add3A_805, %rem3A_791 : vector<16xi1>, vector<16xi32>
        %mul3A_807 = arith.constant 100000 : i32
        %mul3A_808 = vector.broadcast %mul3A_807 : i32 to vector<16xi32>
        %mul3A_809 = arith.muli %select_n3A_806, %mul3A_808 : vector<16xi32>
        %get3A_810 = arith.index_cast %add3A_782 : i32 to index
        %get3A_811 = tpu.vector_load %arg5[%get3A_810] {strides = array<i32>} : memref<13312xi32, #tpu.memory_space<vmem>>, vector<16xi32>,
        %get3A_812 = vector.shape_cast %get3A_811 : vector<16xi32> to vector<16xi32>
        %add3A_813 = arith.addi %get3A_812, %mul3A_809 : vector<16xi32>
        %swap3A_814 = arith.constant 0 : i32
        %swap3A_815 = arith.index_cast %swap3A_814 : i32 to index
        %swap3A_816 = arith.constant 16 : index
        %swap3A_817 = tpu.vector_load %arg6[%swap3A_815, %swap3A_816] {strides = array<i32>} : memref<2x128xi32, #tpu.memory_space<vmem>>, vector<1x16xi32>,
        %swap3A_818 = vector.shape_cast %swap3A_817 : vector<1x16xi32> to vector<16xi32>
        %swap3A_819 = vector.shape_cast %add3A_813 : vector<16xi32> to vector<1x16xi32>
        tpu.vector_store %arg6[%swap3A_815, %swap3A_816], %swap3A_819 {strides = array<i32>} : memref<2x128xi32, #tpu.memory_space<vmem>>, vector<1x16xi32>,
        %mul3A_820 = arith.constant 128 : i32
        %mul3A_821 = arith.muli %add3A_737, %mul3A_820 : i32
        %add3A_822 = arith.constant 32 : i32
        %add3A_823 = arith.addi %mul3A_821, %add3A_822 : i32
        %add3A_824 = vector.broadcast %add3A_823 : i32 to vector<16xi32>
        %add3A_825 = arith.addi %add3A_824, %iota3A : vector<16xi32>
        %jit3A_826 = arith.constant 26 : i32
        %eq3A_827 = arith.constant 0 : i32
        %eq3A_828 = arith.cmpi eq, %jit3A_826, %eq3A_827 : i32
        %jit3A_829 = arith.constant 1 : i32
        %select_n3A_830 = arith.select %eq3A_828, %jit3A_829, %jit3A_826 : i32
        %rem3A_831 = vector.broadcast %select_n3A_830 : i32 to vector<16xi32>
        %rem3A_832 = arith.remsi %add3A_825, %rem3A_831 : vector<16xi32>
        %ne3A_833 = arith.constant 0 : i32
        %ne3A_834 = vector.broadcast %ne3A_833 : i32 to vector<16xi32>
        %ne3A_835 = arith.cmpi ne, %rem3A_832, %ne3A_834 : vector<16xi32>
        %lt3A_836 = arith.constant 0 : i32
        %lt3A_837 = vector.broadcast %lt3A_836 : i32 to vector<16xi32>
        %lt3A_838 = arith.cmpi slt, %rem3A_832, %lt3A_837 : vector<16xi32>
        %lt3A_839 = arith.constant 0 : i32
        %lt3A_840 = arith.cmpi slt, %select_n3A_830, %lt3A_839 : i32
        %ne3A_841 = vector.broadcast %lt3A_840 : i1 to vector<16xi1>
        %ne3A_842 = vector.broadcast %ne3A_841 : vector<16xi1> to vector<16xi1>
        %ne3A_843 = arith.xori %lt3A_838, %ne3A_842 : vector<16xi1>
        %and3A_844 = arith.andi %ne3A_843, %ne3A_835 : vector<16xi1>
        %add3A_845 = vector.broadcast %select_n3A_830 : i32 to vector<16xi32>
        %add3A_846 = arith.addi %rem3A_832, %add3A_845 : vector<16xi32>
        %select_n3A_847 = arith.select %and3A_844, %add3A_846, %rem3A_832 : vector<16xi1>, vector<16xi32>
        %mul3A_848 = arith.constant 100000 : i32
        %mul3A_849 = vector.broadcast %mul3A_848 : i32 to vector<16xi32>
        %mul3A_850 = arith.muli %select_n3A_847, %mul3A_849 : vector<16xi32>
        %get3A_851 = arith.index_cast %add3A_823 : i32 to index
        %get3A_852 = tpu.vector_load %arg5[%get3A_851] {strides = array<i32>} : memref<13312xi32, #tpu.memory_space<vmem>>, vector<16xi32>,
        %get3A_853 = vector.shape_cast %get3A_852 : vector<16xi32> to vector<16xi32>
        %add3A_854 = arith.addi %get3A_853, %mul3A_850 : vector<16xi32>
        %swap3A_855 = arith.constant 0 : i32
        %swap3A_856 = arith.index_cast %swap3A_855 : i32 to index
        %swap3A_857 = arith.constant 32 : index
        %swap3A_858 = tpu.vector_load %arg6[%swap3A_856, %swap3A_857] {strides = array<i32>} : memref<2x128xi32, #tpu.memory_space<vmem>>, vector<1x16xi32>,
        %swap3A_859 = vector.shape_cast %swap3A_858 : vector<1x16xi32> to vector<16xi32>
        %swap3A_860 = vector.shape_cast %add3A_854 : vector<16xi32> to vector<1x16xi32>
        tpu.vector_store %arg6[%swap3A_856, %swap3A_857], %swap3A_860 {strides = array<i32>} : memref<2x128xi32, #tpu.memory_space<vmem>>, vector<1x16xi32>,
        %mul3A_861 = arith.constant 128 : i32
        %mul3A_862 = arith.muli %add3A_737, %mul3A_861 : i32
        %add3A_863 = arith.constant 48 : i32
        %add3A_864 = arith.addi %mul3A_862, %add3A_863 : i32
        %add3A_865 = vector.broadcast %add3A_864 : i32 to vector<16xi32>
        %add3A_866 = arith.addi %add3A_865, %iota3A : vector<16xi32>
        %jit3A_867 = arith.constant 26 : i32
        %eq3A_868 = arith.constant 0 : i32
        %eq3A_869 = arith.cmpi eq, %jit3A_867, %eq3A_868 : i32
        %jit3A_870 = arith.constant 1 : i32
        %select_n3A_871 = arith.select %eq3A_869, %jit3A_870, %jit3A_867 : i32
        %rem3A_872 = vector.broadcast %select_n3A_871 : i32 to vector<16xi32>
        %rem3A_873 = arith.remsi %add3A_866, %rem3A_872 : vector<16xi32>
        %ne3A_874 = arith.constant 0 : i32
        %ne3A_875 = vector.broadcast %ne3A_874 : i32 to vector<16xi32>
        %ne3A_876 = arith.cmpi ne, %rem3A_873, %ne3A_875 : vector<16xi32>
        %lt3A_877 = arith.constant 0 : i32
        %lt3A_878 = vector.broadcast %lt3A_877 : i32 to vector<16xi32>
        %lt3A_879 = arith.cmpi slt, %rem3A_873, %lt3A_878 : vector<16xi32>
        %lt3A_880 = arith.constant 0 : i32
        %lt3A_881 = arith.cmpi slt, %select_n3A_871, %lt3A_880 : i32
        %ne3A_882 = vector.broadcast %lt3A_881 : i1 to vector<16xi1>
        %ne3A_883 = vector.broadcast %ne3A_882 : vector<16xi1> to vector<16xi1>
        %ne3A_884 = arith.xori %lt3A_879, %ne3A_883 : vector<16xi1>
        %and3A_885 = arith.andi %ne3A_884, %ne3A_876 : vector<16xi1>
        %add3A_886 = vector.broadcast %select_n3A_871 : i32 to vector<16xi32>
        %add3A_887 = arith.addi %rem3A_873, %add3A_886 : vector<16xi32>
        %select_n3A_888 = arith.select %and3A_885, %add3A_887, %rem3A_873 : vector<16xi1>, vector<16xi32>
        %mul3A_889 = arith.constant 100000 : i32
        %mul3A_890 = vector.broadcast %mul3A_889 : i32 to vector<16xi32>
        %mul3A_891 = arith.muli %select_n3A_888, %mul3A_890 : vector<16xi32>
        %get3A_892 = arith.index_cast %add3A_864 : i32 to index
        %get3A_893 = tpu.vector_load %arg5[%get3A_892] {strides = array<i32>} : memref<13312xi32, #tpu.memory_space<vmem>>, vector<16xi32>,
        %get3A_894 = vector.shape_cast %get3A_893 : vector<16xi32> to vector<16xi32>
        %add3A_895 = arith.addi %get3A_894, %mul3A_891 : vector<16xi32>
        %swap3A_896 = arith.constant 0 : i32
        %swap3A_897 = arith.index_cast %swap3A_896 : i32 to index
        %swap3A_898 = arith.constant 48 : index
        %swap3A_899 = tpu.vector_load %arg6[%swap3A_897, %swap3A_898] {strides = array<i32>} : memref<2x128xi32, #tpu.memory_space<vmem>>, vector<1x16xi32>,
        %swap3A_900 = vector.shape_cast %swap3A_899 : vector<1x16xi32> to vector<16xi32>
        %swap3A_901 = vector.shape_cast %add3A_895 : vector<16xi32> to vector<1x16xi32>
        tpu.vector_store %arg6[%swap3A_897, %swap3A_898], %swap3A_901 {strides = array<i32>} : memref<2x128xi32, #tpu.memory_space<vmem>>, vector<1x16xi32>,
        %mul3A_902 = arith.constant 128 : i32
        %mul3A_903 = arith.muli %add3A_737, %mul3A_902 : i32
        %add3A_904 = arith.constant 64 : i32
        %add3A_905 = arith.addi %mul3A_903, %add3A_904 : i32
        %add3A_906 = vector.broadcast %add3A_905 : i32 to vector<16xi32>
        %add3A_907 = arith.addi %add3A_906, %iota3A : vector<16xi32>
        %jit3A_908 = arith.constant 26 : i32
        %eq3A_909 = arith.constant 0 : i32
        %eq3A_910 = arith.cmpi eq, %jit3A_908, %eq3A_909 : i32
        %jit3A_911 = arith.constant 1 : i32
        %select_n3A_912 = arith.select %eq3A_910, %jit3A_911, %jit3A_908 : i32
        %rem3A_913 = vector.broadcast %select_n3A_912 : i32 to vector<16xi32>
        %rem3A_914 = arith.remsi %add3A_907, %rem3A_913 : vector<16xi32>
        %ne3A_915 = arith.constant 0 : i32
        %ne3A_916 = vector.broadcast %ne3A_915 : i32 to vector<16xi32>
        %ne3A_917 = arith.cmpi ne, %rem3A_914, %ne3A_916 : vector<16xi32>
        %lt3A_918 = arith.constant 0 : i32
        %lt3A_919 = vector.broadcast %lt3A_918 : i32 to vector<16xi32>
        %lt3A_920 = arith.cmpi slt, %rem3A_914, %lt3A_919 : vector<16xi32>
        %lt3A_921 = arith.constant 0 : i32
        %lt3A_922 = arith.cmpi slt, %select_n3A_912, %lt3A_921 : i32
        %ne3A_923 = vector.broadcast %lt3A_922 : i1 to vector<16xi1>
        %ne3A_924 = vector.broadcast %ne3A_923 : vector<16xi1> to vector<16xi1>
        %ne3A_925 = arith.xori %lt3A_920, %ne3A_924 : vector<16xi1>
        %and3A_926 = arith.andi %ne3A_925, %ne3A_917 : vector<16xi1>
        %add3A_927 = vector.broadcast %select_n3A_912 : i32 to vector<16xi32>
        %add3A_928 = arith.addi %rem3A_914, %add3A_927 : vector<16xi32>
        %select_n3A_929 = arith.select %and3A_926, %add3A_928, %rem3A_914 : vector<16xi1>, vector<16xi32>
        %mul3A_930 = arith.constant 100000 : i32
        %mul3A_931 = vector.broadcast %mul3A_930 : i32 to vector<16xi32>
        %mul3A_932 = arith.muli %select_n3A_929, %mul3A_931 : vector<16xi32>
        %get3A_933 = arith.index_cast %add3A_905 : i32 to index
        %get3A_934 = tpu.vector_load %arg5[%get3A_933] {strides = array<i32>} : memref<13312xi32, #tpu.memory_space<vmem>>, vector<16xi32>,
        %get3A_935 = vector.shape_cast %get3A_934 : vector<16xi32> to vector<16xi32>
        %add3A_936 = arith.addi %get3A_935, %mul3A_932 : vector<16xi32>
        %swap3A_937 = arith.constant 0 : i32
        %swap3A_938 = arith.index_cast %swap3A_937 : i32 to index
        %swap3A_939 = arith.constant 64 : index
        %swap3A_940 = tpu.vector_load %arg6[%swap3A_938, %swap3A_939] {strides = array<i32>} : memref<2x128xi32, #tpu.memory_space<vmem>>, vector<1x16xi32>,
        %swap3A_941 = vector.shape_cast %swap3A_940 : vector<1x16xi32> to vector<16xi32>
        %swap3A_942 = vector.shape_cast %add3A_936 : vector<16xi32> to vector<1x16xi32>
        tpu.vector_store %arg6[%swap3A_938, %swap3A_939], %swap3A_942 {strides = array<i32>} : memref<2x128xi32, #tpu.memory_space<vmem>>, vector<1x16xi32>,
        %mul3A_943 = arith.constant 128 : i32
        %mul3A_944 = arith.muli %add3A_737, %mul3A_943 : i32
        %add3A_945 = arith.constant 80 : i32
        %add3A_946 = arith.addi %mul3A_944, %add3A_945 : i32
        %add3A_947 = vector.broadcast %add3A_946 : i32 to vector<16xi32>
        %add3A_948 = arith.addi %add3A_947, %iota3A : vector<16xi32>
        %jit3A_949 = arith.constant 26 : i32
        %eq3A_950 = arith.constant 0 : i32
        %eq3A_951 = arith.cmpi eq, %jit3A_949, %eq3A_950 : i32
        %jit3A_952 = arith.constant 1 : i32
        %select_n3A_953 = arith.select %eq3A_951, %jit3A_952, %jit3A_949 : i32
        %rem3A_954 = vector.broadcast %select_n3A_953 : i32 to vector<16xi32>
        %rem3A_955 = arith.remsi %add3A_948, %rem3A_954 : vector<16xi32>
        %ne3A_956 = arith.constant 0 : i32
        %ne3A_957 = vector.broadcast %ne3A_956 : i32 to vector<16xi32>
        %ne3A_958 = arith.cmpi ne, %rem3A_955, %ne3A_957 : vector<16xi32>
        %lt3A_959 = arith.constant 0 : i32
        %lt3A_960 = vector.broadcast %lt3A_959 : i32 to vector<16xi32>
        %lt3A_961 = arith.cmpi slt, %rem3A_955, %lt3A_960 : vector<16xi32>
        %lt3A_962 = arith.constant 0 : i32
        %lt3A_963 = arith.cmpi slt, %select_n3A_953, %lt3A_962 : i32
        %ne3A_964 = vector.broadcast %lt3A_963 : i1 to vector<16xi1>
        %ne3A_965 = vector.broadcast %ne3A_964 : vector<16xi1> to vector<16xi1>
        %ne3A_966 = arith.xori %lt3A_961, %ne3A_965 : vector<16xi1>
        %and3A_967 = arith.andi %ne3A_966, %ne3A_958 : vector<16xi1>
        %add3A_968 = vector.broadcast %select_n3A_953 : i32 to vector<16xi32>
        %add3A_969 = arith.addi %rem3A_955, %add3A_968 : vector<16xi32>
        %select_n3A_970 = arith.select %and3A_967, %add3A_969, %rem3A_955 : vector<16xi1>, vector<16xi32>
        %mul3A_971 = arith.constant 100000 : i32
        %mul3A_972 = vector.broadcast %mul3A_971 : i32 to vector<16xi32>
        %mul3A_973 = arith.muli %select_n3A_970, %mul3A_972 : vector<16xi32>
        %get3A_974 = arith.index_cast %add3A_946 : i32 to index
        %get3A_975 = tpu.vector_load %arg5[%get3A_974] {strides = array<i32>} : memref<13312xi32, #tpu.memory_space<vmem>>, vector<16xi32>,
        %get3A_976 = vector.shape_cast %get3A_975 : vector<16xi32> to vector<16xi32>
        %add3A_977 = arith.addi %get3A_976, %mul3A_973 : vector<16xi32>
        %swap3A_978 = arith.constant 0 : i32
        %swap3A_979 = arith.index_cast %swap3A_978 : i32 to index
        %swap3A_980 = arith.constant 80 : index
        %swap3A_981 = tpu.vector_load %arg6[%swap3A_979, %swap3A_980] {strides = array<i32>} : memref<2x128xi32, #tpu.memory_space<vmem>>, vector<1x16xi32>,
        %swap3A_982 = vector.shape_cast %swap3A_981 : vector<1x16xi32> to vector<16xi32>
        %swap3A_983 = vector.shape_cast %add3A_977 : vector<16xi32> to vector<1x16xi32>
        tpu.vector_store %arg6[%swap3A_979, %swap3A_980], %swap3A_983 {strides = array<i32>} : memref<2x128xi32, #tpu.memory_space<vmem>>, vector<1x16xi32>,
        %mul3A_984 = arith.constant 128 : i32
        %mul3A_985 = arith.muli %add3A_737, %mul3A_984 : i32
        %add3A_986 = arith.constant 96 : i32
        %add3A_987 = arith.addi %mul3A_985, %add3A_986 : i32
        %add3A_988 = vector.broadcast %add3A_987 : i32 to vector<16xi32>
        %add3A_989 = arith.addi %add3A_988, %iota3A : vector<16xi32>
        %jit3A_990 = arith.constant 26 : i32
        %eq3A_991 = arith.constant 0 : i32
        %eq3A_992 = arith.cmpi eq, %jit3A_990, %eq3A_991 : i32
        %jit3A_993 = arith.constant 1 : i32
        %select_n3A_994 = arith.select %eq3A_992, %jit3A_993, %jit3A_990 : i32
        %rem3A_995 = vector.broadcast %select_n3A_994 : i32 to vector<16xi32>
        %rem3A_996 = arith.remsi %add3A_989, %rem3A_995 : vector<16xi32>
        %ne3A_997 = arith.constant 0 : i32
        %ne3A_998 = vector.broadcast %ne3A_997 : i32 to vector<16xi32>
        %ne3A_999 = arith.cmpi ne, %rem3A_996, %ne3A_998 : vector<16xi32>
        %lt3A_1000 = arith.constant 0 : i32
        %lt3A_1001 = vector.broadcast %lt3A_1000 : i32 to vector<16xi32>
        %lt3A_1002 = arith.cmpi slt, %rem3A_996, %lt3A_1001 : vector<16xi32>
        %lt3A_1003 = arith.constant 0 : i32
        %lt3A_1004 = arith.cmpi slt, %select_n3A_994, %lt3A_1003 : i32
        %ne3A_1005 = vector.broadcast %lt3A_1004 : i1 to vector<16xi1>
        %ne3A_1006 = vector.broadcast %ne3A_1005 : vector<16xi1> to vector<16xi1>
        %ne3A_1007 = arith.xori %lt3A_1002, %ne3A_1006 : vector<16xi1>
        %and3A_1008 = arith.andi %ne3A_1007, %ne3A_999 : vector<16xi1>
        %add3A_1009 = vector.broadcast %select_n3A_994 : i32 to vector<16xi32>
        %add3A_1010 = arith.addi %rem3A_996, %add3A_1009 : vector<16xi32>
        %select_n3A_1011 = arith.select %and3A_1008, %add3A_1010, %rem3A_996 : vector<16xi1>, vector<16xi32>
        %mul3A_1012 = arith.constant 100000 : i32
        %mul3A_1013 = vector.broadcast %mul3A_1012 : i32 to vector<16xi32>
        %mul3A_1014 = arith.muli %select_n3A_1011, %mul3A_1013 : vector<16xi32>
        %get3A_1015 = arith.index_cast %add3A_987 : i32 to index
        %get3A_1016 = tpu.vector_load %arg5[%get3A_1015] {strides = array<i32>} : memref<13312xi32, #tpu.memory_space<vmem>>, vector<16xi32>,
        %get3A_1017 = vector.shape_cast %get3A_1016 : vector<16xi32> to vector<16xi32>
        %add3A_1018 = arith.addi %get3A_1017, %mul3A_1014 : vector<16xi32>
        %swap3A_1019 = arith.constant 0 : i32
        %swap3A_1020 = arith.index_cast %swap3A_1019 : i32 to index
        %swap3A_1021 = arith.constant 96 : index
        %swap3A_1022 = tpu.vector_load %arg6[%swap3A_1020, %swap3A_1021] {strides = array<i32>} : memref<2x128xi32, #tpu.memory_space<vmem>>, vector<1x16xi32>,
        %swap3A_1023 = vector.shape_cast %swap3A_1022 : vector<1x16xi32> to vector<16xi32>
        %swap3A_1024 = vector.shape_cast %add3A_1018 : vector<16xi32> to vector<1x16xi32>
        tpu.vector_store %arg6[%swap3A_1020, %swap3A_1021], %swap3A_1024 {strides = array<i32>} : memref<2x128xi32, #tpu.memory_space<vmem>>, vector<1x16xi32>,
        %mul3A_1025 = arith.constant 128 : i32
        %mul3A_1026 = arith.muli %add3A_737, %mul3A_1025 : i32
        %add3A_1027 = arith.constant 112 : i32
        %add3A_1028 = arith.addi %mul3A_1026, %add3A_1027 : i32
        %add3A_1029 = vector.broadcast %add3A_1028 : i32 to vector<16xi32>
        %add3A_1030 = arith.addi %add3A_1029, %iota3A : vector<16xi32>
        %jit3A_1031 = arith.constant 26 : i32
        %eq3A_1032 = arith.constant 0 : i32
        %eq3A_1033 = arith.cmpi eq, %jit3A_1031, %eq3A_1032 : i32
        %jit3A_1034 = arith.constant 1 : i32
        %select_n3A_1035 = arith.select %eq3A_1033, %jit3A_1034, %jit3A_1031 : i32
        %rem3A_1036 = vector.broadcast %select_n3A_1035 : i32 to vector<16xi32>
        %rem3A_1037 = arith.remsi %add3A_1030, %rem3A_1036 : vector<16xi32>
        %ne3A_1038 = arith.constant 0 : i32
        %ne3A_1039 = vector.broadcast %ne3A_1038 : i32 to vector<16xi32>
        %ne3A_1040 = arith.cmpi ne, %rem3A_1037, %ne3A_1039 : vector<16xi32>
        %lt3A_1041 = arith.constant 0 : i32
        %lt3A_1042 = vector.broadcast %lt3A_1041 : i32 to vector<16xi32>
        %lt3A_1043 = arith.cmpi slt, %rem3A_1037, %lt3A_1042 : vector<16xi32>
        %lt3A_1044 = arith.constant 0 : i32
        %lt3A_1045 = arith.cmpi slt, %select_n3A_1035, %lt3A_1044 : i32
        %ne3A_1046 = vector.broadcast %lt3A_1045 : i1 to vector<16xi1>
        %ne3A_1047 = vector.broadcast %ne3A_1046 : vector<16xi1> to vector<16xi1>
        %ne3A_1048 = arith.xori %lt3A_1043, %ne3A_1047 : vector<16xi1>
        %and3A_1049 = arith.andi %ne3A_1048, %ne3A_1040 : vector<16xi1>
        %add3A_1050 = vector.broadcast %select_n3A_1035 : i32 to vector<16xi32>
        %add3A_1051 = arith.addi %rem3A_1037, %add3A_1050 : vector<16xi32>
        %select_n3A_1052 = arith.select %and3A_1049, %add3A_1051, %rem3A_1037 : vector<16xi1>, vector<16xi32>
        %mul3A_1053 = arith.constant 100000 : i32
        %mul3A_1054 = vector.broadcast %mul3A_1053 : i32 to vector<16xi32>
        %mul3A_1055 = arith.muli %select_n3A_1052, %mul3A_1054 : vector<16xi32>
        %get3A_1056 = arith.index_cast %add3A_1028 : i32 to index
        %get3A_1057 = tpu.vector_load %arg5[%get3A_1056] {strides = array<i32>} : memref<13312xi32, #tpu.memory_space<vmem>>, vector<16xi32>,
        %get3A_1058 = vector.shape_cast %get3A_1057 : vector<16xi32> to vector<16xi32>
        %add3A_1059 = arith.addi %get3A_1058, %mul3A_1055 : vector<16xi32>
        %swap3A_1060 = arith.constant 0 : i32
        %swap3A_1061 = arith.index_cast %swap3A_1060 : i32 to index
        %swap3A_1062 = arith.constant 112 : index
        %swap3A_1063 = tpu.vector_load %arg6[%swap3A_1061, %swap3A_1062] {strides = array<i32>} : memref<2x128xi32, #tpu.memory_space<vmem>>, vector<1x16xi32>,
        %swap3A_1064 = vector.shape_cast %swap3A_1063 : vector<1x16xi32> to vector<16xi32>
        %swap3A_1065 = vector.shape_cast %add3A_1059 : vector<16xi32> to vector<1x16xi32>
        tpu.vector_store %arg6[%swap3A_1061, %swap3A_1062], %swap3A_1065 {strides = array<i32>} : memref<2x128xi32, #tpu.memory_space<vmem>>, vector<1x16xi32>,
        %dma_start3A_1066 = arith.constant 0 : i32
        %dma_start3A_1067 = arith.constant 0 : i32
        %dma_start3A_1068 = arith.constant 0 : i32
        %dma_start3A_1069 = arith.constant 0 : i32
        %dma_start3A_1070 = tpu.memref_slice %arg7[%dma_start3A_1067, %dma_start3A_1068, %dma_start3A_1069] : memref<2x128x32xf32, #tpu.memory_space<vmem>> -> memref<1x128x32xf32, #tpu.memory_space<vmem>>
        %dma_start3A_1071 = tpu.memref_squeeze %dma_start3A_1070 : memref<1x128x32xf32, #tpu.memory_space<vmem>> -> memref<128x32xf32, #tpu.memory_space<vmem>>
        %dma_start3A_1072 = arith.constant 0 : i32
        %dma_start3A_1073 = tpu.memref_slice %arg6[%dma_start3A_1066, %dma_start3A_1072] : memref<2x128xi32, #tpu.memory_space<vmem>> -> memref<1x128xi32, #tpu.memory_space<vmem>>
        %dma_start3A_1074 = tpu.memref_squeeze %dma_start3A_1073 : memref<1x128xi32, #tpu.memory_space<vmem>> -> memref<128xi32, #tpu.memory_space<vmem>>
        %dma_start3A_1075 = arith.constant 0 : i32
        %dma_start3A_1076 = arith.constant 0 : i32
        %dma_start3A_1077 = tpu.memref_slice %arg2[%dma_start3A_1075, %dma_start3A_1076] : memref<2600000x32xf32, #tpu.memory_space<hbm>> -> memref<2600000x32xf32, #tpu.memory_space<hbm>>
        tpu.enqueue_indirect_dma source(%dma_start3A_1077 : memref<2600000x32xf32, #tpu.memory_space<hbm>>) target(%dma_start3A_1071 : memref<128x32xf32, #tpu.memory_space<vmem>>) offsets(%dma_start3A_1074 : memref<128xi32, #tpu.memory_space<vmem>>) semaphore(%arg8 : memref<!tpu.dma_semaphore, #tpu.memory_space<semaphore_mem>>)
      } else {
      }
      %add3A_696 = arith.constant 1 : i32
      %add3A_697 = arith.addi %mul3A_315, %add3A_696 : i32
      %dma_wait3A_698 = arith.constant 1 : i32
      %dma_wait3A_699 = arith.constant 1 : i32
      %dma_wait3A_700 = arith.constant 0 : i32
      %dma_wait3A_701 = arith.constant 0 : i32
      %dma_wait3A_702 = tpu.memref_slice %arg7[%dma_wait3A_699, %dma_wait3A_700, %dma_wait3A_701] : memref<2x128x32xf32, #tpu.memory_space<vmem>> -> memref<1x128x32xf32, #tpu.memory_space<vmem>>
      %dma_wait3A_703 = tpu.memref_squeeze %dma_wait3A_702 : memref<1x128x32xf32, #tpu.memory_space<vmem>> -> memref<128x32xf32, #tpu.memory_space<vmem>>
      %dma_wait3A_704 = arith.constant 0 : i32
      %dma_wait3A_705 = tpu.memref_slice %arg6[%dma_wait3A_698, %dma_wait3A_704] : memref<2x128xi32, #tpu.memory_space<vmem>> -> memref<1x128xi32, #tpu.memory_space<vmem>>
      %dma_wait3A_706 = tpu.memref_squeeze %dma_wait3A_705 : memref<1x128xi32, #tpu.memory_space<vmem>> -> memref<128xi32, #tpu.memory_space<vmem>>
      %dma_wait3A_707 = arith.constant 0 : i32
      %dma_wait3A_708 = arith.constant 0 : i32
      %dma_wait3A_709 = tpu.memref_slice %arg2[%dma_wait3A_707, %dma_wait3A_708] : memref<2600000x32xf32, #tpu.memory_space<hbm>> -> memref<2600000x32xf32, #tpu.memory_space<hbm>>
      tpu.wait_indirect_dma semaphore(%arg9 : memref<!tpu.dma_semaphore, #tpu.memory_space<semaphore_mem>>) src(%dma_wait3A_709 : memref<2600000x32xf32, #tpu.memory_space<hbm>>) dst(%dma_wait3A_703 : memref<128x32xf32, #tpu.memory_space<vmem>>)
      %jit3A_710 = arith.constant 128 : i32
      %div3A_711 = arith.divsi %mul3A_2, %jit3A_710 : i32
      %sign3A_712 = arith.constant 0 : i32
      %sign3A_713 = arith.cmpi sgt, %mul3A_2, %sign3A_712 : i32
      %sign3A_714 = arith.extui %sign3A_713 : i1 to i32
      %sign3A_715 = arith.constant 0 : i32
      %sign3A_716 = arith.cmpi slt, %mul3A_2, %sign3A_715 : i32
      %sign3A_717 = arith.extui %sign3A_716 : i1 to i32
      %sign3A_718 = arith.subi %sign3A_714, %sign3A_717 : i32
      %sign3A_719 = arith.constant 0 : i32
      %sign3A_720 = arith.cmpi sgt, %jit3A_710, %sign3A_719 : i32
      %sign3A_721 = arith.extui %sign3A_720 : i1 to i32
      %sign3A_722 = arith.constant 0 : i32
      %sign3A_723 = arith.cmpi slt, %jit3A_710, %sign3A_722 : i32
      %sign3A_724 = arith.extui %sign3A_723 : i1 to i32
      %sign3A_725 = arith.subi %sign3A_721, %sign3A_724 : i32
      %ne3A_726 = arith.cmpi ne, %sign3A_718, %sign3A_725 : i32
      %rem3A_727 = arith.remsi %mul3A_2, %jit3A_710 : i32
      %ne3A_728 = arith.constant 0 : i32
      %ne3A_729 = arith.cmpi ne, %rem3A_727, %ne3A_728 : i32
      %and3A_730 = arith.andi %ne3A_726, %ne3A_729 : i1
      %sub3A_731 = arith.constant 1 : i32
      %sub3A_732 = arith.subi %div3A_711, %sub3A_731 : i32
      %select_n3A_733 = arith.select %and3A_730, %sub3A_732, %div3A_711 : i32
      %add3A_734 = arith.addi %select_n3A_733, %add3A_697 : i32
      %run_scoped3A_735 = arith.constant 1 : i32
      "tpu.region"() ({
        %run_scoped3A_736 = tpu.sem_alloc : memref<!tpu.dma_semaphore, #tpu.memory_space<semaphore_mem>>
        %dma_start3A_737 = arith.constant 0 : i32
        %dma_start3A_738 = arith.constant 0 : i32
        %dma_start3A_739 = tpu.memref_slice %arg7[%run_scoped3A_735, %dma_start3A_737, %dma_start3A_738] : memref<2x128x32xf32, #tpu.memory_space<vmem>> -> memref<1x128x32xf32, #tpu.memory_space<vmem>>
        %dma_start3A_740 = tpu.memref_squeeze %dma_start3A_739 : memref<1x128x32xf32, #tpu.memory_space<vmem>> -> memref<128x32xf32, #tpu.memory_space<vmem>>
        %dma_start3A_741 = arith.constant 0 : i32
        %dma_start3A_742 = arith.constant 0 : i32
        %dma_start3A_743 = tpu.memref_slice %arg4[%add3A_734, %dma_start3A_741, %dma_start3A_742] : memref<3328x128x32xf32, #tpu.memory_space<hbm>> -> memref<1x128x32xf32, #tpu.memory_space<hbm>>
        %dma_start3A_744 = tpu.memref_squeeze %dma_start3A_743 : memref<1x128x32xf32, #tpu.memory_space<hbm>> -> memref<128x32xf32, #tpu.memory_space<hbm>>
        %dma_start3A_745 = arith.constant 0 : i32
        %dma_start3A_746 = arith.constant 0 : i32
        %dma_start3A_747 = tpu.memref_slice %arg4[%add3A_734, %dma_start3A_745, %dma_start3A_746] : memref<3328x128x32xf32, #tpu.memory_space<hbm>> -> memref<1x128x32xf32, #tpu.memory_space<hbm>>
        %dma_start3A_748 = tpu.memref_squeeze %dma_start3A_747 : memref<1x128x32xf32, #tpu.memory_space<hbm>> -> memref<128x32xf32, #tpu.memory_space<hbm>>
        %dma_start3A_749 = arith.constant 0 : i32
        %dma_start3A_750 = arith.constant 0 : i32
        %dma_start3A_751 = tpu.memref_slice %arg7[%run_scoped3A_735, %dma_start3A_749, %dma_start3A_750] : memref<2x128x32xf32, #tpu.memory_space<vmem>> -> memref<1x128x32xf32, #tpu.memory_space<vmem>>
        %dma_start3A_752 = tpu.memref_squeeze %dma_start3A_751 : memref<1x128x32xf32, #tpu.memory_space<vmem>> -> memref<128x32xf32, #tpu.memory_space<vmem>>
        tpu.enqueue_dma source(%dma_start3A_752 : memref<128x32xf32, #tpu.memory_space<vmem>>) target(%dma_start3A_748 : memref<128x32xf32, #tpu.memory_space<hbm>>) target_semaphore(%run_scoped3A_736 : memref<!tpu.dma_semaphore, #tpu.memory_space<semaphore_mem>>)
        %dma_wait3A_753 = arith.constant 0 : i32
        %dma_wait3A_754 = arith.constant 0 : i32
        %dma_wait3A_755 = tpu.memref_slice %arg7[%run_scoped3A_735, %dma_wait3A_753, %dma_wait3A_754] : memref<2x128x32xf32, #tpu.memory_space<vmem>> -> memref<1x128x32xf32, #tpu.memory_space<vmem>>
        %dma_wait3A_756 = tpu.memref_squeeze %dma_wait3A_755 : memref<1x128x32xf32, #tpu.memory_space<vmem>> -> memref<128x32xf32, #tpu.memory_space<vmem>>
        %dma_wait3A_757 = arith.constant 0 : i32
        %dma_wait3A_758 = arith.constant 0 : i32
        %dma_wait3A_759 = tpu.memref_slice %arg4[%add3A_734, %dma_wait3A_757, %dma_wait3A_758] : memref<3328x128x32xf32, #tpu.memory_space<hbm>> -> memref<1x128x32xf32, #tpu.memory_space<hbm>>
        %dma_wait3A_760 = tpu.memref_squeeze %dma_wait3A_759 : memref<1x128x32xf32, #tpu.memory_space<hbm>> -> memref<128x32xf32, #tpu.memory_space<hbm>>
        %dma_wait3A_761 = arith.constant 0 : i32
        %dma_wait3A_762 = arith.constant 0 : i32
        %dma_wait3A_763 = tpu.memref_slice %arg4[%add3A_734, %dma_wait3A_761, %dma_wait3A_762] : memref<3328x128x32xf32, #tpu.memory_space<hbm>> -> memref<1x128x32xf32, #tpu.memory_space<hbm>>
        %dma_wait3A_764 = tpu.memref_squeeze %dma_wait3A_763 : memref<1x128x32xf32, #tpu.memory_space<hbm>> -> memref<128x32xf32, #tpu.memory_space<hbm>>
        %dma_wait3A_765 = arith.constant 0 : i32
        %dma_wait3A_766 = arith.constant 0 : i32
        %dma_wait3A_767 = tpu.memref_slice %arg7[%run_scoped3A_735, %dma_wait3A_765, %dma_wait3A_766] : memref<2x128x32xf32, #tpu.memory_space<vmem>> -> memref<1x128x32xf32, #tpu.memory_space<vmem>>
        %dma_wait3A_768 = tpu.memref_squeeze %dma_wait3A_767 : memref<1x128x32xf32, #tpu.memory_space<vmem>> -> memref<128x32xf32, #tpu.memory_space<vmem>>
        tpu.wait_dma2 semaphore(%run_scoped3A_736 : memref<!tpu.dma_semaphore, #tpu.memory_space<semaphore_mem>>) src(%dma_wait3A_768 : memref<128x32xf32, #tpu.memory_space<vmem>>) dst(%dma_wait3A_764 : memref<128x32xf32, #tpu.memory_space<hbm>>)
        tpu.yield
      }) : () -> ()
    }
    %scan3A_312 = arith.constant 52 : i32
    return
  }
}

</mosaic_0001>

<sc_bundles>
// kernel: kernel.3.cloned.1.call-start
scs
__scs_entry_jumppad:
0x0: {  	(pc) =	sbr.rel $0x88, $3  }
0x1: {  	(tag) =	ssettag $0x0;
	lr =	simm.s32 $0x1  }
0x2: {  	[smem:$0x3F9F] =	sst lr;
	_ =	strace $0xD0000000  }
0x3: {  	_ = 	snop  }
0x4: {  	_ = 	snop  }
0x5: {  	_ = 	snop  }
0x6: {  	_ = 	snop  }
0x7: {  	_ = 	snop  }
__scs_overlays_trampoline_lowered:
0x8: {  	[smem:$0x3FAE] =	sst s0  }
0x9: {  	[smem:$0x3FAF] =	sst s1  }
0xa: {  	[smem:$0x3FB0] =	sst s2  }
0xb: {  	[smem:$0x3FB1] =	sst s3  }
0xc: {  	[smem:$0x3FB2] =	sst s4  }
0xd: {  	[smem:$0x3FB3] =	sst s5  }
0xe: {  	[smem:$0x3FB4] =	sst s6  }
0xf: {  	[smem:$0x3FB5] =	sst s7  }
0x10: {  	[smem:$0x3FB6] =	sst s8  }
0x11: {  	[smem:$0x3FB7] =	sst s9;
	s0 =	simm.s32 @!p0 $0x0  }
0x12: {  	s1 =	sld [smem:$0x3F9D];
	s0 =	simm.s32 @p0 $0x1  }
0x13: {  	[smem:$0x3FB8] =	sst s0;
	s0 =	simm.s32 @!p1 $0x0  }
0x14: {  	s2 =	sld [smem:$0x3F9C];
	s0 =	simm.s32 @p1 $0x1  }
0x15: {  	[smem:$0x3FB9] =	sst s0;
	s0 =	simm.s32 @!p2 $0x0  }
0x16: {  	s3 =	sld [smem:$0x3FDB];
	s0 =	simm.s32 @p2 $0x1  }
0x17: {  	s4 =	simm.s32 $0x1BF5;
	[smem:$0x3FBB] =	sst s0  }
0x18: {  	s0 =	sld [smem:$0x3F9E];
	_ =	swait.ge [sflag:s4], $0x0  }
0x19: {  	s7 =	sld [smem:$0x3F9F]  }
0x1a: {  	s8 =	sadd.s32 $0xFFFFE003, lr  }
0x1b: {  	s9 =	sadd.s32 $0xFFFFFEF7, lr;
	s5 =	simm.s32 $0xFFFFFFFF;
	p2 =	slt.u32 s8, $0xFFFFF086  }
0x1c: {  	p1 =	slt.u32 s9, $0xF7A;
	s5 =	simm.s32 @!p2 $0x0  }
0x1d: {  	s5 =	simm.s32 @p1 $0x1;
	p0 =	seq.s32 s7, s2  }
0x1e: {  	s7 =	smul.u32 @!p0 $0xF7A, s2;
	p2 =	seq.s32 @!p0 s5, $0x0  }
0x1f: {  	s9 =	smul.u32 $0xF7A, s1;
	s8 =	simm.s32 @!p0 $0x1BF5;
	p2 =	por !p2, p0  }
0x20: {  	[sflag:s8] =	ssyncset.s32 @!p0 $0xFFFFF086;
	s6 =	sadd.s32 @!p0 s3, s7;
	s7 =	simm.s32 @!p0 $0x108  }
0x21: {  	s3 =	sadd.s32 s3, s9;
	s6 =	sadd.s32 @!p0 $0x88, s6;
	s7 =	simm.s32 @p2 $0x1082  }
0x22: {  	[simem:s7], [sflag:s8] =	dma.local @!p0 [hbm:s6], $0xF7A  }
0x23: {  	s9 =	sor.u32 $0xD0000000, s2;
	s6 =	simm.s32 $0x108;
	_ =	swait.ge @!p0 [sflag:s8], $0x0  }
0x24: {  	s3 =	sadd.s32 $0x88, s3;
	s6 =	simm.s32 @!p1 $0x1082;
	[sflag:s4] =	ssyncset.s32 $0xFFFFF086  }
0x25: {  	[simem:s6], [sflag:s4] =	dma.local [hbm:s3], $0xF7A  }
0x26: {  	[smem:$0x3F9F] =	sst s1;
	(tag) =	ssettag s2;
	_ =	strace s9  }
0x27: {  	s1 =	sld [smem:$0x3FAF]  }
0x28: {  	s2 =	sld [smem:$0x3FB0]  }
0x29: {  	s4 =	sld [smem:$0x3FB2]  }
0x2a: {  	p0 =	seq.s32 s5, $0x0;
	s5 =	sld [smem:$0x3FB3]  }
0x2b: {  	s6 =	sld [smem:$0x3FB4]  }
0x2c: {  	s7 =	sld [smem:$0x3FB5]  }
0x2d: {  	s3 =	simm.s32 $0x108;
	s8 =	sld [smem:$0x3FB6]  }
0x2e: {  	s3 =	simm.s32 @!p0 $0x1082;
	s9 =	sld [smem:$0x3FB7]  }
0x2f: {  	lr =	sadd.s32 s0, s3;
	s0 =	sld [smem:$0x3FAE]  }
0x30: {  	s3 =	sld [smem:$0x3FB1]  }
0x31: {  	[smem:$0x3FBA] =	sst s10  }
0x32: {  	s10 =	sld [smem:$0x3FB8];
	_ =	sdelay $0x3  }
0x33: {  	p0 =	seq.s32 s10, $0x1;
	s10 =	sld [smem:$0x3FBA];
	_ =	sdelay $0x3  }
0x34: {  	[smem:$0x3FBA] =	sst s10  }
0x35: {  	s10 =	sld [smem:$0x3FB9];
	_ =	sdelay $0x3  }
0x36: {  	p1 =	seq.s32 s10, $0x1;
	s10 =	sld [smem:$0x3FBA];
	_ =	sdelay $0x3  }
0x37: {  	[smem:$0x3FBA] =	sst s10  }
0x38: {  	s10 =	sld [smem:$0x3FBB]  }
0x39: {  	_ = 	snop;
	(pc) =	sbr.ind lr, $3  }
0x3a: {  	_ = 	snop  }
0x3b: {  	_ = 	snop  }
0x3c: {  	p2 =	seq.s32 s10, $0x1;
	s10 =	sld [smem:$0x3FBA]  }
0x3d: {  	_ =	shalt  }
0x3e: {  	_ =	shalt  }
0x3f: {  	_ =	shalt  }
0x40: {  	_ =	shalt  }
0x41: {  	_ =	shalt  }
0x42: {  	_ =	shalt  }
0x43: {  	_ =	shalt  }
0x44: {  	_ =	shalt  }
0x45: {  	_ =	shalt  }
0x46: {  	_ =	shalt  }
0x47: {  	_ =	shalt  }
0x48: {  	_ =	shalt  }
0x49: {  	_ =	shalt  }
0x4a: {  	_ =	shalt  }
0x4b: {  	_ =	shalt  }
0x4c: {  	_ =	shalt  }
0x4d: {  	_ =	shalt  }
0x4e: {  	_ =	shalt  }
0x4f: {  	_ =	shalt  }
0x50: {  	_ =	shalt  }
0x51: {  	_ =	shalt  }
0x52: {  	_ =	shalt  }
0x53: {  	_ =	shalt  }
0x54: {  	_ =	shalt  }
0x55: {  	_ =	shalt  }
0x56: {  	_ =	shalt  }
0x57: {  	_ =	shalt  }
0x58: {  	_ =	shalt  }
0x59: {  	_ =	shalt  }
0x5a: {  	_ =	shalt  }
0x5b: {  	_ =	shalt  }
0x5c: {  	_ =	shalt  }
0x5d: {  	_ =	shalt  }
0x5e: {  	_ =	shalt  }
0x5f: {  	_ =	shalt  }
0x60: {  	_ =	shalt  }
0x61: {  	_ =	shalt  }
0x62: {  	_ =	shalt  }
0x63: {  	_ =	shalt  }
0x64: {  	_ =	shalt  }
0x65: {  	_ =	shalt  }
0x66: {  	_ =	shalt  }
0x67: {  	_ =	shalt  }
0x68: {  	_ =	shalt  }
0x69: {  	_ =	shalt  }
0x6a: {  	_ =	shalt  }
0x6b: {  	_ =	shalt  }
0x6c: {  	_ =	shalt  }
0x6d: {  	_ =	shalt  }
0x6e: {  	_ =	shalt  }
0x6f: {  	_ =	shalt  }
0x70: {  	_ =	shalt  }
0x71: {  	_ =	shalt  }
0x72: {  	_ =	shalt  }
0x73: {  	_ =	shalt  }
0x74: {  	_ =	shalt  }
0x75: {  	_ =	shalt  }
0x76: {  	_ =	shalt  }
0x77: {  	_ =	shalt  }
0x78: {  	_ =	shalt  }
0x79: {  	_ =	shalt  }
0x7a: {  	_ =	shalt  }
0x7b: {  	_ =	shalt  }
0x7c: {  	_ =	shalt  }
0x7d: {  	_ =	shalt  }
0x7e: {  	_ =	shalt  }
0x7f: {  	_ =	shalt  }
0x80: {  	_ =	shalt  }
0x81: {  	_ =	shalt  }
0x82: {  	_ =	shalt  }
0x83: {  	_ =	shalt  }
0x84: {  	_ =	shalt  }
0x85: {  	_ =	shalt  }
0x86: {  	_ =	shalt  }
0x87: {  	_ =	shalt  }
.Lfunc_end0:
.L_simem_size_0:
called_computation.1_lowered:
.L_overlay_start_0:
0x88: {  	s2 =	sld [smem:$0x3FD9]  }
0x89: {  	s3 =	sld [smem:$0x3FFE];
	_ =	sdelay $0x1  }
0x8a: {  	s1 =	srdreg.scid  }
0x8b: {  	s0 =	sand.u32 $0x1, s1  }
0x8c: {  	s17 =	sshll.u32 s0, $0xA;
	s2 =	sadd.s32 s3, s2  }
0x8d: {  	s2 =	sadd.s32 s2, s17  }
0x8e: {  	[smem:$0x3FC6] =	sst s2  }
0x8f: {  	_ = 	snop  }
0x90: {  	s2 =	sld [smem:$0x3FD0];
	(tm) =	ssettm $0x1  }
0x91: {  	s18 =	sld [smem:$0x3FFB];
	_ =	sdelay $0x3  }
0x92: {  	_ =	strace s18  }
0x93: {  	s3 =	sld [smem:$0x3FFC];
	_ =	sdelay $0x3  }
0x94: {  	_ =	strace s3  }
0x95: {  	s3 =	sld [smem:$0x3FFD];
	_ =	sdelay $0x3  }
0x96: {  	_ =	strace s3  }
0x97: {  	_ =	strace $0x8FFFFFFF  }
0x98: {  	s19 =	sld [smem:$0x3FDB];
	_ =	sdelay $0x1  }
0x99: {  	s4 =	simm.s32 $_scs_section_size  }
0x9a: {  	s5 =	simm.s32 $_size__tile_overlayer_lowered;
	s6 =	simm.s32 $_tile_overlayer_lowered  }
0x9b: {  	s22 =	simm.s32 $0x1BFF;
	s21 =	sshll.u32 s6, $0x1;
	s3 =	sadd.s32 s4, s19  }
0x9c: {  	s7 =	simm.s32 $0x0;
	s20 =	sshll.u32 s5, $0x1;
	s5 =	sadd.s32 s21, s3  }
0x9d: {  	[timem:s7], [sflag:s22] =	dma.local [hbm:s5], s20  }
0x9e: {  	_ =	swait.ge [sflag:s22], s20  }
0x9f: {  	s4 =	ssub.s32 $0x0, s20;
	[sflag:s22] =	ssyncset.done $0x0  }
0xa0: {  	[sflag:s22] =	ssyncadd.s32 s4;
	_ =	sdelay $0x1  }
0xa1: {  	s23 =	simm.s32 $0x1B8B  }
0xa2: {  	_ =	swait.ge [sflag:s23], $0x1  }
0xa3: {  	[sflag:s23] =	ssyncset.done $0x0  }
0xa4: {  	s25 =	simm.s32 $0x1B8E;
	s24 =	sld [smem:$0x3FFE];
	[sflag:s23] =	ssyncadd.s32 $0xFFFFFFFF  }
0xa5: {  	s26 =	simm.s32 $execute0_lowered;
	[smem:$0x3FD2] =	sst s25  }
0xa6: {  	s5 =	sshll.u32 s26, $0x1;
	_ =	strace $0x80000046;
	[dreg:$0x1] =	wrdreg $0xFFFFFFFF  }
0xa7: {  	s28 =	simm.s32 $_size_execute0_lowered;
	s3 =	sadd.s32 s3, s5;
	[dreg:$0x0] =	wrdreg $0x0  }
0xa8: {  	s5 =	sshll.u32 s28, $0x1;
	[dreg:$0x2] =	wrdreg s3  }
0xa9: {  	[dreg:$0x3] =	wrdreg s5  }
0xaa: {  	[dreg:$0x4] =	wrdreg $0xC0  }
0xab: {  	_ =	task [dreg:s7], $0x5FFFF  }
0xac: {  	[dreg:$0x1] =	wrdreg $0xFFFFFFFF  }
0xad: {  	[dreg:$0x0] =	wrdreg $0x60  }
0xae: {  	[dreg:$0x2] =	wrdreg s24  }
0xaf: {  	[dreg:$0x3] =	wrdreg s2  }
0xb0: {  	[dreg:$0x4] =	wrdreg $0x9  }
0xb1: {  	_ =	task.clear_ibuf [dreg:s7], $0x5FFFF;
	_ =	strace $0x90000046  }
0xb2: {  	s29 =	simm.s32 $0x9;
	_ =	strace $0x80000048  }
0xb3: {  	_ =	swait.ge [sflag:s29], $0x1  }
0xb4: {  	[sflag:s29] =	ssyncadd.s32 $0xFFFFFFFF  }
0xb5: {  	_ =	strace $0x90000048  }
0xb6: {  	_ =	sfence  }
0xb7: {  	s30 =	sld [smem:$0x0];
	_ =	sdelay $0x2  }
0xb8: {  	s31 =	sshll.u32 s1, $0xD;
	s1 =	sshrl.u32 s1, $0x2  }
0xb9: {  	s3 =	sand.u32 $0x4000, s31;
	s1 =	sadd.s32 s1, s30  }
0xba: {  	s0 =	sor.u32 s3, s0;
	s1 =	sshll.u32 s1, $0x11  }
0xbb: {  	s0 =	sor.u32 s1, s0  }
0xbc: {  	s0 =	sadd.s32 $0x8F2B, s0  }
0xbd: {  	[sflag:s0] =	ssyncadd.remote.s32 $0x1  }
0xbe: {  	_ =	sfence.sel $0xFFFF  }
0xbf: {  	[dreg:$0x0] =	wrdreg $0xFFFFFFFF;
	(pc) =	sbr.abs _section_cstart, $3  }
0xc0: {  	[dreg:$0x1] =	wrdreg $0xFFFFFFFF  }
0xc1: {  	_ =	task.clear_ibuf [dreg:s7], $0x2FFFF;
	_ =	strace $0x9FFFFFFF  }
0xc2: {  	(tm) =	ssettm $0x7FFFFFFF  }
0xc3: {  	_ =	shalt  }
tec
execute0_lowered:
.L_overlay_start_1:
0x0: {  	(tag) =	ssettag $0x1  }
0x1: {  	vm14 =	vcmask $0x300;
	v0 =	vimm.s32 $0x7A120;
	vm13 =	vcmask $0x704  }
0x2: {  	vm12 =	vcmask $0xB08;
	vm11 =	vcmask $0xF0C;
	vm10 =	vcmask $0x1310  }
0x3: {  	vm9 =	vcmask $0x1714;
	vm8 =	vcmask $0x1B18;
	vm7 =	vcmask $0x1F1C  }
0x4: {  	vm6 =	vcmask $0x2320;
	vm5 =	vcmask $0x2724;
	vm4 =	vcmask $0x2B28  }
0x5: {  	vm3 =	vcmask $0x2F2C;
	vm2 =	vcmask $0x3330;
	vm1 =	vcmask $0x3734  }
0x6: {  	vm0 =	vcmask $0x3B38;
	v4 =	vimm.s32 $0x10C8E0;
	v5 =	vimm.s32 $0x186A0  }
0x7: {  	v6 =	vimm.s32 $0xAAE60;
	v0 =	vsel vm14, $0x186A00, v0;
	v4 =	vsel vm14, $0x2191C0, v4  }
0x8: {  	v5 =	vsel vm14, $0x124F80, v5;
	v6 =	vsel vm14, $0x1B7740, v6;
	v0 =	vsel vm13, $0x19F0A0, v0  }
0x9: {  	v4 =	vsel vm13, $0x231860, v4;
	v5 =	vsel vm13, $0x13D620, v5;
	v6 =	vsel vm13, $0x1CFDE0, v6  }
0xa: {  	v0 =	vsel vm12, $0x1B7740, v0;
	v4 =	vsel vm12, $0x249F00, v4;
	v5 =	vsel vm12, $0x155CC0, v5  }
0xb: {  	v6 =	vsel vm12, $0x1E8480, v6;
	v0 =	vsel vm11, $0x1CFDE0, v0;
	v4 =	vsel vm11, $0x2625A0, v4  }
0xc: {  	v5 =	vsel vm11, $0x16E360, v5;
	v6 =	vsel vm11, $0x200B20, v6;
	v0 =	vsel vm10, $0x1E8480, v0  }
0xd: {  	v4 =	vsel vm10, $0x0, v4;
	v5 =	vsel vm10, $0x186A00, v5;
	v6 =	vsel vm10, $0x2191C0, v6  }
0xe: {  	v0 =	vsel vm9, $0x200B20, v0;
	v4 =	vsel vm9, $0x186A0, v4;
	v5 =	vsel vm9, $0x19F0A0, v5  }
0xf: {  	v6 =	vsel vm9, $0x231860, v6;
	v0 =	vsel vm8, $0x2191C0, v0;
	v4 =	vsel vm8, $0x30D40, v4  }
0x10: {  	s4 =	rddreg [dreg:$0x0];
	v5 =	vsel vm8, $0x1B7740, v5;
	v6 =	vsel vm8, $0x249F00, v6;
	v0 =	vsel vm7, $0x231860, v0  }
0x11: {  	s5 =	rddreg [dreg:$0x1];
	v4 =	vsel vm7, $0x493E0, v4;
	v5 =	vsel vm7, $0x1CFDE0, v5;
	v6 =	vsel vm7, $0x2625A0, v6  }
0x12: {  	s0 =	simm.s32 $0x0;
	s1 =	rddreg [dreg:$0x2];
	s3 =	srdreg.scid;
	v0 =	vsel vm6, $0x249F00, v0;
	v4 =	vsel vm6, $0x61A80, v4;
	v5 =	vsel vm6, $0x1E8480, v5  }
0x13: {  	s2 =	stileid.u32;
	s11 =	simm.s32 $0x3480;
	[smem:$0x7FF] =	sst s0;
	v6 =	vsel vm6, $0x0, v6;
	v0 =	vsel vm5, $0x2625A0, v0;
	v4 =	vsel vm5, $0x7A120, v4  }
0x14: {  	s6 =	sand.u32 $0x1, s3;
	s29 =	sshll.u32 s2, $0x1;
	s9 =	smul.u32 $0x1A000, s2;
	v5 =	vsel vm5, $0x200B20, v5;
	v6 =	vsel vm5, $0x186A0, v6;
	v0 =	vsel vm4, $0x0, v0  }
0x15: {  	s3 =	sor.u32 s6, s29;
	s8 =	ssub.s32 $0x2, s6;
	s6 =	smul.u32 $0xD000, s6;
	v4 =	vsel vm4, $0x927C0, v4;
	v5 =	vsel vm4, $0x2191C0, v5;
	v6 =	vsel vm4, $0x30D40, v6  }
0x16: {  	s12 =	simm.s32 $0x4500;
	_ =	strace $0x80000047;
	s7 =	smul.u32 $0x3400, s3;
	v1 =	vsel vm3, $0x186A0, v0;
	v0 =	vlaneseq.u32;
	v4 =	vsel vm3, $0xAAE60, v4  }
0x17: {  	s13 =	simm.s32 $0x1;
	s3 =	sadd.s32 $0x27ACE00, s4;
	v5 =	vsel vm3, $0x231860, v5;
	v6 =	vsel vm3, $0x493E0, v6;
	v2 =	vsel vm2, $0x30D40, v1  }
.Ltmp0:
0x18: {  	s14 =	simm.s32 $0x2;
	s15 =	simm.s32 $0x0;
	v1 =	vmul.u32 $0x186A0, v0;
	v4 =	vsel vm2, $0xC3500, v4;
	v5 =	vsel vm2, $0x249F00, v5;
	(pc) =	sbr.rel .LBB2_1-.Ltmp0, $4  }
0x19: {  	s10 =	sshrl.u32 s8, $0x1;
	s31 =	sadd.s32 s9, s5;
	s9 =	simm.s32 $0x3400;
	v6 =	vsel vm2, $0x61A80, v6;
	v2 =	vsel vm1, $0x493E0, v2;
	v4 =	vsel vm1, $0xDBBA0, v4  }
0x1a: {  	s30 =	ssub.s32 s8, s10;
	s6 =	sadd.s32 s6, s31;
	s7 =	sshrl.u32 s7, $0x3;
	v5 =	vsel vm1, $0x2625A0, v5;
	v7 =	vsel vm1, $0x7A120, v6;
	v2 =	vsel vm0, $0x61A80, v2  }
0x1b: {  	s8 =	simm.s32 $0x80;
	s10 =	simm.s32 $0x3500;
	s4 =	sadd.s32 s7, s4;
	v3 =	vadd.s32 $0x927C0, v1;
	v4 =	vsel vm0, $0xF4240, v4;
	v5 =	vsel vm0, $0x0, v5  }
0x1c: {  	s5 =	smax.u32 s30, $0x1;
	s7 =	simm.s32 $0x3;
	s4 =	sadd.s32 $0xA00, s4;
	v6 =	vadd.s32 $0x30D40, v1;
	v7 =	vsel vm0, $0x927C0, v7;
	v8 =	vadd.s32 $0xC3500, v1  }
.LBB2_5:
0x1d: {  	s15 =	sadd.s32 $0x1, s15  }
0x1e: {  	p0 =	sne.s32 s15, s5  }
.Ltmp1:
0x1f: {  	_ = 	snop;
	(pc) =	sbr.rel @!p0 .LBB2_6-.Ltmp1, $1  }
0x20: {  	_ =	sdelay $0x3  }
.LBB2_1:
0x21: {  	[tilespmem:s0], [sflag:$0x3] =	stream.linear.gather [hbm4b:s4+s0], $0x3400, $0x38;
	[tilespmem:$0x5500] =	vst v63  }
0x22: {  	_ =	swait.ge [sflag:s7], $0x3400  }
0x23: {  	[sflag:s7] =	ssyncset.done $0x0  }
0x24: {  	[sflag:s7] =	ssyncadd.s32 $0xFFFFCC00  }
0x25: {  	v9 =	vld [tilespmem:$0x0]  }
0x26: {  	v10 =	vld [tilespmem:$0x10]  }
0x27: {  	v11 =	vld [tilespmem:$0x20]  }
0x28: {  	v12 =	vld [tilespmem:$0x30]  }
0x29: {  	v13 =	vld [tilespmem:$0x40]  }
0x2a: {  	v14 =	vld [tilespmem:$0x50];
	v9 =	vadd.s32 v1, v9  }
0x2b: {  	[tilespmem:$0x3400] =	vst v9;
	v9 =	vadd.s32 v2, v10;
	v10 =	vld [tilespmem:$0x60]  }
0x2c: {  	[tilespmem:$0x3410] =	vst v9;
	v9 =	vadd.s32 v3, v11;
	v11 =	vld [tilespmem:$0x70]  }
0x2d: {  	[tilespmem:$0x3420] =	vst v9;
	v9 =	vadd.s32 v4, v12  }
0x2e: {  	[tilespmem:$0x3430] =	vst v9;
	v9 =	vadd.s32 v5, v13  }
.Ltmp2:
0x2f: {  	[tilespmem:$0x3440] =	vst v9;
	v9 =	vadd.s32 v6, v14;
	(pc) =	sbr.rel .LBB2_2-.Ltmp2, $4  }
0x30: {  	[tilespmem:$0x3450] =	vst v9;
	v9 =	vadd.s32 v7, v10  }
0x31: {  	[tilespmem:$0x3460] =	vst v9;
	v9 =	vadd.s32 v8, v11  }
0x32: {  	s16 =	simm.s32 $0x170;
	s17 =	simm.s32 $0xC0;
	s18 =	smov.u32 s6;
	[tilespmem:$0x3470] =	vst v9  }
0x33: {  	[tilespmem:s10], [sflag:$0x1] =	stream.indirect.gather [hbm4b:s3+s8], $0x20, s9, s8, $0xb8;
	[tilespmem:$0x5500] =	vst v63  }
.LBB2_4:
0x34: {  	_ =	swait.ge [sflag:s14], $0x1000;
	s16 =	sadd.s32 $0x100, s16  }
0x35: {  	[sflag:s14] =	ssyncset.done $0x0;
	p0 =	sne.s32 s16, $0x3570  }
.Ltmp3:
0x36: {  	s19 =	sadd.s32 $0x200, s18;
	[sflag:s14] =	ssyncadd.s32 $0xFFFFF000;
	(pc) =	sbr.rel @!p0 .LBB2_5-.Ltmp3, $4  }
0x37: {  	[hbm4b:s19+s0] =	stream.linear.scatter [tilespmem:s12], [sflag:$0x3], $0x1000, $0x38;
	[tilespmem:$0x5500] =	vst v63  }
0x38: {  	_ =	swait.ge [sflag:s7], $0x1000  }
0x39: {  	[sflag:s7] =	ssyncset.done $0x0  }
0x3a: {  	s18 =	sadd.s32 $0x400, s18;
	s17 =	sadd.s32 $0x100, s17;
	[sflag:s7] =	ssyncadd.s32 $0xFFFFF000  }
.LBB2_2:
0x3b: {  	s19 =	sadd.s32 $0xFFFFFF10, s16  }
0x3c: {  	v9 =	vor.u32 s19, v0  }
0x3d: {  	v10 =	vmulhi.u32 $0x4EC4EC4F, v9;
	_ =	sdelay $0x1  }
0x3e: {  	v10 =	vshrl.u32 v10, $0x3  }
0x3f: {  	v11 =	vld [tilespmem:s17+$0xFFFFFFC0];
	v10 =	vmul.u32 $0x1A, v10;
	_ =	sdelay $0x1  }
0x40: {  	s24 =	sadd.s32 $0xFFFFFF20, s16;
	v9 =	vsub.s32 v9, v10  }
0x41: {  	v10 =	vor.u32 s24, v0;
	v9 =	vmul.u32 $0x186A0, v9  }
0x42: {  	v12 =	vmulhi.u32 $0x4EC4EC4F, v10  }
0x43: {  	v9 =	vadd.s32 v9, v11  }
0x44: {  	[tilespmem:$0x3480] =	vst v9;
	v9 =	vshrl.u32 v12, $0x3  }
0x45: {  	v9 =	vmul.u32 $0x1A, v9;
	v11 =	vld [tilespmem:s17+$0xFFFFFFD0];
	_ =	sdelay $0x1  }
0x46: {  	s25 =	sadd.s32 $0xFFFFFF30, s16;
	v9 =	vsub.s32 v10, v9  }
0x47: {  	v10 =	vor.u32 s25, v0;
	v9 =	vmul.u32 $0x186A0, v9  }
0x48: {  	v58 =	vmulhi.u32 $0x4EC4EC4F, v10  }
0x49: {  	v9 =	vadd.s32 v9, v11  }
0x4a: {  	[tilespmem:$0x3490] =	vst v9;
	v9 =	vshrl.u32 v58, $0x3  }
0x4b: {  	v9 =	vmul.u32 $0x1A, v9;
	v11 =	vld [tilespmem:s17+$0xFFFFFFE0];
	_ =	sdelay $0x1  }
0x4c: {  	s26 =	sadd.s32 $0xFFFFFF40, s16;
	v9 =	vsub.s32 v10, v9  }
0x4d: {  	v10 =	vor.u32 s26, v0;
	v9 =	vmul.u32 $0x186A0, v9  }
0x4e: {  	v59 =	vmulhi.u32 $0x4EC4EC4F, v10  }
0x4f: {  	v9 =	vadd.s32 v9, v11  }
0x50: {  	[tilespmem:$0x34A0] =	vst v9;
	v9 =	vshrl.u32 v59, $0x3  }
0x51: {  	v9 =	vmul.u32 $0x1A, v9;
	v11 =	vld [tilespmem:s17+$0xFFFFFFF0];
	_ =	sdelay $0x1  }
0x52: {  	s28 =	sadd.s32 $0xFFFFFF50, s16;
	v9 =	vsub.s32 v10, v9  }
0x53: {  	v10 =	vor.u32 s28, v0;
	v9 =	vmul.u32 $0x186A0, v9  }
0x54: {  	v60 =	vmulhi.u32 $0x4EC4EC4F, v10  }
0x55: {  	v9 =	vadd.s32 v9, v11  }
0x56: {  	[tilespmem:$0x34B0] =	vst v9;
	v9 =	vshrl.u32 v60, $0x3  }
0x57: {  	v9 =	vmul.u32 $0x1A, v9;
	v11 =	vld [tilespmem:s17+$0x0];
	_ =	sdelay $0x1  }
0x58: {  	s29 =	sadd.s32 $0xFFFFFF60, s16;
	v9 =	vsub.s32 v10, v9  }
0x59: {  	v10 =	vor.u32 s29, v0;
	v9 =	vmul.u32 $0x186A0, v9  }
0x5a: {  	v61 =	vmulhi.u32 $0x4EC4EC4F, v10  }
0x5b: {  	v9 =	vadd.s32 v9, v11  }
0x5c: {  	[tilespmem:$0x34C0] =	vst v9;
	v9 =	vshrl.u32 v61, $0x3  }
0x5d: {  	v9 =	vmul.u32 $0x1A, v9;
	v11 =	vld [tilespmem:s17+$0x10];
	_ =	sdelay $0x1  }
0x5e: {  	s30 =	sadd.s32 $0xFFFFFF70, s16;
	v9 =	vsub.s32 v10, v9  }
0x5f: {  	v10 =	vor.u32 s30, v0;
	v9 =	vmul.u32 $0x186A0, v9  }
0x60: {  	v62 =	vmulhi.u32 $0x4EC4EC4F, v10  }
0x61: {  	v9 =	vadd.s32 v9, v11  }
0x62: {  	[tilespmem:$0x34D0] =	vst v9;
	v9 =	vshrl.u32 v62, $0x3  }
0x63: {  	v9 =	vmul.u32 $0x1A, v9;
	v11 =	vld [tilespmem:s17+$0x20];
	_ =	sdelay $0x1  }
0x64: {  	s31 =	sadd.s32 $0xFFFFFF80, s16;
	v9 =	vsub.s32 v10, v9  }
0x65: {  	v10 =	vor.u32 s31, v0;
	v9 =	vmul.u32 $0x186A0, v9  }
0x66: {  	v63 =	vmulhi.u32 $0x4EC4EC4F, v10  }
0x67: {  	v9 =	vadd.s32 v9, v11  }
0x68: {  	[tilespmem:$0x34E0] =	vst v9;
	v9 =	vshrl.u32 v63, $0x3  }
0x69: {  	v9 =	vmul.u32 $0x1A, v9;
	v11 =	vld [tilespmem:s17+$0x30];
	_ =	sdelay $0x1  }
0x6a: {  	v9 =	vsub.s32 v10, v9  }
0x6b: {  	v9 =	vmul.u32 $0x186A0, v9;
	_ =	sdelay $0x1  }
0x6c: {  	v9 =	vadd.s32 v9, v11  }
0x6d: {  	[tilespmem:$0x34F0] =	vst v9  }
0x6e: {  	[tilespmem:s12], [sflag:$0x2] =	stream.indirect.gather [hbm4b:s3+s8], $0x20, s11, s8, $0xb8;
	[tilespmem:$0x5500] =	vst v63  }
0x6f: {  	_ =	swait.ge [sflag:s13], $0x1000  }
0x70: {  	p0 =	seq.s32 s16, $0x3470;
	[sflag:s13] =	ssyncset.done $0x0  }
.Ltmp4:
0x71: {  	[sflag:s13] =	ssyncadd.s32 $0xFFFFF000;
	(pc) =	sbr.rel @p0 .LBB2_4-.Ltmp4, $4  }
0x72: {  	[hbm4b:s18+s0] =	stream.linear.scatter [tilespmem:s10], [sflag:$0x3], $0x1000, $0x38;
	[tilespmem:$0x5500] =	vst v63  }
0x73: {  	_ =	swait.ge [sflag:s7], $0x1000  }
0x74: {  	[sflag:s7] =	ssyncset.done $0x0  }
0x75: {  	[sflag:s7] =	ssyncadd.s32 $0xFFFFF000  }
0x76: {  	s19 =	sadd.s32 $0xFFFFFF90, s16  }
0x77: {  	v9 =	vor.u32 s19, v0  }
0x78: {  	v10 =	vmulhi.u32 $0x4EC4EC4F, v9;
	_ =	sdelay $0x1  }
0x79: {  	v10 =	vshrl.u32 v10, $0x3  }
0x7a: {  	v11 =	vld [tilespmem:s17+$0x40];
	v10 =	vmul.u32 $0x1A, v10;
	_ =	sdelay $0x1  }
0x7b: {  	s25 =	sadd.s32 $0xFFFFFFA0, s16;
	v9 =	vsub.s32 v9, v10  }
0x7c: {  	v10 =	vor.u32 s25, v0;
	v9 =	vmul.u32 $0x186A0, v9  }
0x7d: {  	v12 =	vmulhi.u32 $0x4EC4EC4F, v10  }
0x7e: {  	v9 =	vadd.s32 v9, v11  }
0x7f: {  	[tilespmem:$0x3400] =	vst v9;
	v9 =	vshrl.u32 v12, $0x3  }
0x80: {  	v9 =	vmul.u32 $0x1A, v9;
	v11 =	vld [tilespmem:s17+$0x50];
	_ =	sdelay $0x1  }
0x81: {  	s26 =	sadd.s32 $0xFFFFFFB0, s16;
	v9 =	vsub.s32 v10, v9  }
0x82: {  	v10 =	vor.u32 s26, v0;
	v9 =	vmul.u32 $0x186A0, v9  }
0x83: {  	v58 =	vmulhi.u32 $0x4EC4EC4F, v10  }
0x84: {  	v9 =	vadd.s32 v9, v11  }
0x85: {  	[tilespmem:$0x3410] =	vst v9;
	v9 =	vshrl.u32 v58, $0x3  }
0x86: {  	v9 =	vmul.u32 $0x1A, v9;
	v11 =	vld [tilespmem:s17+$0x60];
	_ =	sdelay $0x1  }
0x87: {  	s28 =	sadd.s32 $0xFFFFFFC0, s16;
	v9 =	vsub.s32 v10, v9  }
0x88: {  	v10 =	vor.u32 s28, v0;
	v9 =	vmul.u32 $0x186A0, v9  }
0x89: {  	v59 =	vmulhi.u32 $0x4EC4EC4F, v10  }
0x8a: {  	v9 =	vadd.s32 v9, v11  }
0x8b: {  	[tilespmem:$0x3420] =	vst v9;
	v9 =	vshrl.u32 v59, $0x3  }
0x8c: {  	v9 =	vmul.u32 $0x1A, v9;
	v11 =	vld [tilespmem:s17+$0x70];
	_ =	sdelay $0x1  }
0x8d: {  	s29 =	sadd.s32 $0xFFFFFFD0, s16;
	v9 =	vsub.s32 v10, v9  }
0x8e: {  	v10 =	vor.u32 s29, v0;
	v9 =	vmul.u32 $0x186A0, v9  }
0x8f: {  	v60 =	vmulhi.u32 $0x4EC4EC4F, v10  }
0x90: {  	v9 =	vadd.s32 v9, v11  }
0x91: {  	[tilespmem:$0x3430] =	vst v9;
	v9 =	vshrl.u32 v60, $0x3  }
0x92: {  	v9 =	vmul.u32 $0x1A, v9;
	v11 =	vld [tilespmem:s17+$0x80];
	_ =	sdelay $0x1  }
0x93: {  	s30 =	sadd.s32 $0xFFFFFFE0, s16;
	v9 =	vsub.s32 v10, v9  }
0x94: {  	v10 =	vor.u32 s30, v0;
	v9 =	vmul.u32 $0x186A0, v9  }
0x95: {  	v61 =	vmulhi.u32 $0x4EC4EC4F, v10  }
0x96: {  	v9 =	vadd.s32 v9, v11  }
0x97: {  	[tilespmem:$0x3440] =	vst v9;
	v9 =	vshrl.u32 v61, $0x3  }
0x98: {  	v9 =	vmul.u32 $0x1A, v9;
	v11 =	vld [tilespmem:s17+$0x90];
	_ =	sdelay $0x1  }
0x99: {  	s31 =	sadd.s32 $0xFFFFFFF0, s16;
	v9 =	vsub.s32 v10, v9  }
0x9a: {  	v10 =	vor.u32 s31, v0;
	v9 =	vmul.u32 $0x186A0, v9  }
0x9b: {  	v62 =	vmulhi.u32 $0x4EC4EC4F, v10  }
0x9c: {  	v9 =	vadd.s32 v9, v11  }
0x9d: {  	[tilespmem:$0x3450] =	vst v9;
	v9 =	vshrl.u32 v62, $0x3  }
0x9e: {  	v9 =	vmul.u32 $0x1A, v9;
	v11 =	vld [tilespmem:s17+$0xA0];
	_ =	sdelay $0x1  }
0x9f: {  	v9 =	vsub.s32 v10, v9  }
0xa0: {  	v10 =	vor.u32 s16, v0;
	v9 =	vmul.u32 $0x186A0, v9  }
0xa1: {  	v63 =	vmulhi.u32 $0x4EC4EC4F, v10  }
0xa2: {  	v9 =	vadd.s32 v9, v11  }
0xa3: {  	[tilespmem:$0x3460] =	vst v9;
	v9 =	vshrl.u32 v63, $0x3  }
0xa4: {  	v9 =	vmul.u32 $0x1A, v9;
	v11 =	vld [tilespmem:s17+$0xB0];
	_ =	sdelay $0x1  }
0xa5: {  	v9 =	vsub.s32 v10, v9  }
.Ltmp5:
0xa6: {  	v9 =	vmul.u32 $0x186A0, v9;
	(pc) =	sbr.rel .LBB2_4-.Ltmp5, $4  }
0xa7: {  	_ = 	snop  }
0xa8: {  	v9 =	vadd.s32 v9, v11  }
0xa9: {  	[tilespmem:$0x3470] =	vst v9  }
0xaa: {  	[tilespmem:s10], [sflag:$0x1] =	stream.indirect.gather [hbm4b:s3+s8], $0x20, s9, s8, $0xb8;
	[tilespmem:$0x5500] =	vst v63  }
.LBB2_6:
0xab: {  	_ =	sfence.sel $0x180000  }
0xac: {  	[bflag:$0x0] =	sbarrier.arrive $0xFFFF  }
0xad: {  	p0 =	sne.s32 s2, $0x0;
	_ =	strace $0x90000047  }
0xae: {  	s0 =	sadd.s32 @!p0 $0x100000, s1;
	[bflag:$0x2] =	sbarrier.arrive $0xFFFF  }
0xaf: {  	[sflag:s0] =	ssyncadd.tile.s32 @!p0 $0x1;
	_ =	shalt  }
.Lfunc_end2:
_tile_overlayer_lowered:
.L_overlay_start_2:
0xb0: {  	(tag) =	ssettag $0x2  }
0xb1: {  	s0 =	rddreg [dreg:$0x0];
	s2 =	stileid.u32  }
0xb2: {  	s1 =	rddreg [dreg:$0x1];
	p0 =	sne.s32 s2, $0x0  }
0xb3: {  	s3 =	rddreg [dreg:$0x2];
	[bflag:$0x3] =	sbarrier.arrive $0xFFFF;
	s2 =	simm.s32 @!p0 $0x1C03  }
0xb4: {  	[timem:s3], [sflag:s2] =	dma.local @!p0 [hbm:s0], s1  }
0xb5: {  	s0 =	simm.s32 @!p0 $0x3  }
0xb6: {  	_ =	swait.ge @!p0 [sflag:s0], s1  }
0xb7: {  	s1 =	ssub.s32 @!p0 $0x0, s1;
	[sflag:s0] =	ssyncset.done @!p0 $0x0  }
0xb8: {  	[sflag:s0] =	ssyncadd.s32 @!p0 s1  }
0xb9: {  	[bflag:$0x3] =	sbarrier.arrive $0xFFFF  }
0xba: {  	_ =	shalt  }

// kernel: sparse-core-data-format-call.cloned.1.call-start
scs
called_computation_lowered:
.L_overlay_start_0:
0x0: {  	s2 =	sld [smem:$0x3FD9]  }
0x1: {  	s3 =	sld [smem:$0x3FFE];
	_ =	sdelay $0x1  }
0x2: {  	s1 =	srdreg.scid  }
0x3: {  	s0 =	sand.u32 $0x1, s1  }
0x4: {  	s18 =	sshll.u32 s0, $0xA;
	s2 =	sadd.s32 s3, s2  }
0x5: {  	s2 =	sadd.s32 s2, s18  }
0x6: {  	[smem:$0x3FC6] =	sst s2  }
0x7: {  	_ = 	snop  }
0x8: {  	s2 =	sld [smem:$0x3FD0];
	(tm) =	ssettm $0x1  }
0x9: {  	s19 =	sld [smem:$0x3FFB];
	_ =	sdelay $0x3  }
0xa: {  	_ =	strace s19  }
0xb: {  	s3 =	sld [smem:$0x3FFC];
	_ =	sdelay $0x3  }
0xc: {  	_ =	strace s3  }
0xd: {  	s3 =	sld [smem:$0x3FFD];
	_ =	sdelay $0x3  }
0xe: {  	_ =	strace s3  }
0xf: {  	_ =	strace $0x8FFFFFFF  }
0x10: {  	s20 =	sld [smem:$0x3FDB];
	_ =	sdelay $0x1  }
0x11: {  	s4 =	simm.s32 $_scs_section_size  }
0x12: {  	s5 =	simm.s32 $_size__tile_overlayer_lowered;
	s6 =	simm.s32 $_tile_overlayer_lowered  }
0x13: {  	s23 =	simm.s32 $0x1BFF;
	s22 =	sshll.u32 s6, $0x1;
	s3 =	sadd.s32 s4, s20  }
0x14: {  	s7 =	simm.s32 $0x0;
	s21 =	sshll.u32 s5, $0x1;
	s5 =	sadd.s32 s22, s3  }
0x15: {  	[timem:s7], [sflag:s23] =	dma.local [hbm:s5], s21  }
0x16: {  	_ =	swait.ge [sflag:s23], s21  }
0x17: {  	s4 =	ssub.s32 $0x0, s21;
	[sflag:s23] =	ssyncset.done $0x0  }
0x18: {  	[sflag:s23] =	ssyncadd.s32 s4;
	_ =	sdelay $0x1  }
0x19: {  	s24 =	simm.s32 $0x1B8B  }
0x1a: {  	_ =	swait.ge [sflag:s24], $0x1  }
0x1b: {  	[sflag:s24] =	ssyncset.done $0x0  }
0x1c: {  	s26 =	simm.s32 $0x1B8E;
	s25 =	sld [smem:$0x3FFE];
	[sflag:s24] =	ssyncadd.s32 $0xFFFFFFFF  }
0x1d: {  	s27 =	simm.s32 $execute0_lowered;
	[smem:$0x3FD2] =	sst s26  }
0x1e: {  	s5 =	sshll.u32 s27, $0x1;
	_ =	strace $0x80000049;
	[dreg:$0x1] =	wrdreg $0xFFFFFFFF  }
0x1f: {  	s28 =	simm.s32 $_size_execute0_lowered;
	s3 =	sadd.s32 s3, s5;
	[dreg:$0x0] =	wrdreg $0x0  }
0x20: {  	s5 =	sshll.u32 s28, $0x1;
	[dreg:$0x2] =	wrdreg s3  }
0x21: {  	[dreg:$0x3] =	wrdreg s5  }
0x22: {  	[dreg:$0x4] =	wrdreg $0xC0  }
0x23: {  	_ =	task [dreg:s7], $0x5FFFF  }
0x24: {  	[dreg:$0x1] =	wrdreg $0xFFFFFFFF  }
0x25: {  	[dreg:$0x0] =	wrdreg $0x60  }
0x26: {  	[dreg:$0x2] =	wrdreg s25  }
0x27: {  	[dreg:$0x3] =	wrdreg s2  }
0x28: {  	[dreg:$0x4] =	wrdreg $0x9  }
0x29: {  	_ =	task.clear_ibuf [dreg:s7], $0x5FFFF;
	_ =	strace $0x90000049  }
0x2a: {  	s29 =	simm.s32 $0x9;
	_ =	strace $0x8000004B  }
0x2b: {  	_ =	swait.ge [sflag:s29], $0x1  }
0x2c: {  	[sflag:s29] =	ssyncadd.s32 $0xFFFFFFFF  }
0x2d: {  	_ =	strace $0x9000004B  }
0x2e: {  	_ =	sfence  }
0x2f: {  	s30 =	sld [smem:$0x0];
	_ =	sdelay $0x2  }
0x30: {  	s31 =	sshll.u32 s1, $0xD;
	s1 =	sshrl.u32 s1, $0x2  }
0x31: {  	s3 =	sand.u32 $0x4000, s31;
	s1 =	sadd.s32 s1, s30  }
0x32: {  	s0 =	sor.u32 s3, s0;
	s1 =	sshll.u32 s1, $0x11  }
0x33: {  	s0 =	sor.u32 s1, s0  }
0x34: {  	s0 =	sadd.s32 $0x8F2B, s0  }
0x35: {  	[sflag:s0] =	ssyncadd.remote.s32 $0x1  }
0x36: {  	_ =	sfence.sel $0xFFFF  }
0x37: {  	[dreg:$0x0] =	wrdreg $0xFFFFFFFF;
	(pc) =	sbr.abs _section_cstart, $3  }
0x38: {  	[dreg:$0x1] =	wrdreg $0xFFFFFFFF  }
0x39: {  	_ =	task.clear_ibuf [dreg:s7], $0x2FFFF;
	_ =	strace $0x9FFFFFFF  }
0x3a: {  	(tm) =	ssettm $0x7FFFFFFF  }
0x3b: {  	_ =	shalt  }
tec
execute0_lowered:
.L_overlay_start_1:
0x0: {  	(tag) =	ssettag $0x1  }
0x1: {  	s0 =	srdreg.scid  }
0x2: {  	s1 =	sshll.u32 s0, $0x4  }
0x3: {  	s6 =	rddreg [dreg:$0x0];
	s0 =	stileid.u32;
	s1 =	sand.u32 $0x10, s1  }
0x4: {  	s3 =	rddreg [dreg:$0x1];
	s1 =	sor.u32 s0, s1  }
0x5: {  	s5 =	simm.s32 $0x1;
	s31 =	simm.s32 $0x2;
	s2 =	sshll.u32 s1, $0x7  }
0x6: {  	s15 =	simm.s32 $0x0;
	s8 =	simm.s32 $0x20000;
	s4 =	ssub.s32 $0x4000, s2  }
0x7: {  	s14 =	simm.s32 $0x0;
	s9 =	simm.s32 $0x0;
	s30 =	sand.u32 $0xF80, s4  }
0x8: {  	s10 =	simm.s32 $0x0;
	s11 =	simm.s32 $0x0;
	p0 =	sne.s32 s30, $0x0  }
.Ltmp0:
0x9: {  	s7 =	sshrl.u32 s4, $0xC;
	s5 =	simm.s32 @!p0 $0x0;
	(pc) =	sbr.rel .LBB1_1-.Ltmp0, $4  }
0xa: {  	s13 =	simm.s32 $0x0;
	s1 =	rddreg [dreg:$0x2];
	s5 =	sadd.s32 s5, s7  }
0xb: {  	_ =	strace $0x8000004A;
	s4 =	simm.s32 $0x1;
	s5 =	smul.u32 $0x7, s5  }
0xc: {  	s6 =	sadd.s32 $0xA00, s6;
	s12 =	smov.u32 s2;
	[sflag:s4] =	ssyncpa.u1 $0x0  }
0xd: {  	[sflag:s31] =	ssyncpa.u1 $0x0;
	p0 =	por $0x0, $0x0;
	s7 =	sadd.s32 $0x1, s5  }
.LBB1_4:
0xe: {  	s20 =	sshra.s32 s20, $0x2  }
0xf: {  	s28 =	sand.u32 $0x78, s10;
	s21 =	sshll.u32 s9, $0xE;
	s22 =	sshll.u32 s10, $0x3  }
0x10: {  	s24 =	sshll.u32 s9, $0x7;
	p1 =	sgt.s32 s9, $0x2C0;
	s30 =	sshra.s32 s9, $0x1F  }
0x11: {  	s26 =	sshra.s32 s10, $0x1F;
	s19 =	sadd.s32 s20, s19;
	s21 =	sand.u32 $0xFFFE0000, s21  }
0x12: {  	v5 =	vld [tilespmem:s17+$0xFFFFFFD0];
	[tilespmem:s18+$0x2040 ss:$0x81] =	vst.msk $0xffff, v4;
	s23 =	sand.u32 $0xFFFFFC00, s22;
	s29 =	sand.u32 $0x380, s24;
	s22 =	sand.u32 $0x3C00, s22  }
0x13: {  	v58 =	vld [tilespmem:s17+$0xFFFFFFE0];
	[tilespmem:s18+$0x2850 ss:$0x81] =	vst.msk $0xffff, v3;
	s21 =	sadd.s32 s23, s21;
	s20 =	sor.u32 s28, s22;
	s22 =	smov.u32 s9  }
0x14: {  	v59 =	vld [tilespmem:s17+$0xFFFFFFF0];
	[tilespmem:s18+$0x3060 ss:$0x81] =	vst.msk $0xffff, v2;
	s24 =	sand.u32 s30, s9;
	s21 =	sshrl.u32 s21, $0xE;
	s22 =	simm.s32 @!p1 $0x2C0  }
0x15: {  	v60 =	vld [tilespmem:s17+$0x0];
	[tilespmem:s18+$0x0 ss:$0x81] =	vst.msk $0xffff, v1;
	p1 =	sgt.s32 s10, $0x3F80;
	s31 =	ssub.s32 s22, s24;
	s22 =	smov.u32 s10  }
0x16: {  	v61 =	vld [tilespmem:s17+$0x10];
	[tilespmem:s19+$0x3870 ss:$0x81] =	vst.msk $0xffff, v0;
	s25 =	smulhi.u32 $0x4EC4ED, s21;
	s24 =	sand.u32 s26, s10;
	s22 =	simm.s32 @!p1 $0x3F80  }
0x17: {  	v62 =	vld [tilespmem:s17+$0x20];
	s20 =	sor.u32 s29, s20;
	[tilespmem:s19+$0x810 ss:$0x81] =	vst.msk $0xffff, v5;
	s27 =	sadd.s32 $0xFFFFFD40, s31;
	s22 =	ssub.s32 s22, s24  }
0x18: {  	v63 =	vld [tilespmem:s17+$0xFFFFFFC0];
	[tilespmem:s19+$0x1020 ss:$0x81] =	vst.msk $0xffff, v58;
	s18 =	ssub.s32 $0x340, s31;
	s28 =	smul.u32 $0x340, s25;
	s29 =	sadd.s32 $0xFFFFC080, s22  }
0x19: {  	[tilespmem:s19+$0x1830 ss:$0x81] =	vst.msk $0xffff, v59;
	p1 =	sgt.s32 s27, $0x7F;
	s22 =	ssub.s32 $0x4000, s22;
	p2 =	sgt.s32 s29, $0x7F  }
0x1a: {  	s30 =	sand.u32 $0x7, s10;
	[tilespmem:s19+$0x2040 ss:$0x81] =	vst.msk $0xffff, v60;
	s18 =	simm.s32 @p1 $0x0;
	s22 =	simm.s32 @p2 $0x0  }
0x1b: {  	s20 =	sshrl.u32 s20, $0x3;
	[tilespmem:s19+$0x2850 ss:$0x81] =	vst.msk $0xffff, v61;
	s17 =	ssub.s32 s21, s28;
	s18 =	smul.u32 s22, s18  }
0x1c: {  	[tilespmem:s19+$0x3060 ss:$0x81] =	vst.msk $0xffff, v62;
	s20 =	sadd.s32 s3, s20;
	s21 =	sshll.u32 s30, $0x12;
	s17 =	sshll.u32 s17, $0xB  }
0x1d: {  	[tilespmem:s19+$0x0 ss:$0x81] =	vst.msk $0xffff, v63;
	s31 =	sor.u32 $0x400, s21;
	s17 =	sadd.s32 s17, s20;
	s18 =	sand.u32 $0x3FFFFFFF, s18  }
0x1e: {  	[hbm4b:s17+s31] =	stream.strided.scatter [tilespmem:s16], [sflag:$0x2], s18, s8, s31, $0x20;
	[tilespmem:$0x10100] =	vst v63  }
.LBB1_5:
0x1f: {  	p1 =	slt.u32 s13, $0x2  }
0x20: {  	s17 =	smov.u32 s15;
	p2 =	sgt.s32 @!p1 s15, $0x2C0;
	s16 =	sshra.s32 @!p1 s15, $0x1F  }
0x21: {  	p3 =	sgt.s32 @!p1 s14, $0x3F80;
	s18 =	sshra.s32 @!p1 s14, $0x1F;
	p2 =	por !p2, p1  }
0x22: {  	s15 =	sand.u32 @!p1 s16, s15;
	p3 =	por !p3, p1;
	s16 =	smov.u32 s14  }
0x23: {  	s14 =	sand.u32 @!p1 s18, s14;
	s17 =	simm.s32 @p2 $0x2C0;
	s16 =	simm.s32 @p3 $0x3F80  }
0x24: {  	s15 =	ssub.s32 @!p1 s17, s15;
	s14 =	ssub.s32 @!p1 s16, s14  }
0x25: {  	s18 =	smov.u32 s12;
	s16 =	sadd.s32 @!p1 $0xFFFFFD40, s15;
	s17 =	sadd.s32 @!p1 $0xFFFFC080, s14  }
0x26: {  	s15 =	ssub.s32 @!p1 $0x340, s15;
	p2 =	sgt.s32 @!p1 s16, $0x7F;
	p3 =	sgt.s32 @!p1 s17, $0x7F  }
0x27: {  	s14 =	ssub.s32 @!p1 $0x4000, s14;
	p2 =	por !p2, p1;
	p3 =	por !p3, p1  }
0x28: {  	s16 =	sadd.s32 $0x80, s11;
	s15 =	simm.s32 @!p2 $0x0;
	s14 =	simm.s32 @!p3 $0x0  }
0x29: {  	p2 =	sgt.s32 s16, $0x33F;
	s14 =	smul.u32 @!p1 s14, s15;
	s15 =	sadd.s32 $0x1000, s12  }
0x2a: {  	s18 =	smov.u32 @p2 s15  }
0x2b: {  	s16 =	simm.s32 @p2 $0x0;
	p2 =	sgt.s32 s18, $0x3FFF  }
0x2c: {  	s18 =	smov.u32 @p2 s2;
	p2 =	sne.s32 s13, s7  }
.Ltmp1:
0x2d: {  	p0 =	por !p0, !p0;
	s17 =	simm.s32 @!p1 $0x2;
	(pc) =	sbr.rel @!p2 .LBB1_6-.Ltmp1, $4  }
0x2e: {  	s15 =	smov.u32 s9;
	s9 =	smov.u32 s11;
	s14 =	sand.u32 @!p1 $0x3FFFFFFF, s14  }
0x2f: {  	s11 =	smov.u32 s16;
	_ =	swait.ge @!p1 [sflag:s17], s14;
	s19 =	ssub.s32 @!p1 $0x0, s14  }
0x30: {  	s14 =	smov.u32 s10;
	s13 =	sadd.s32 $0x1, s13;
	[sflag:s17] =	ssyncset.done @!p1 $0x0  }
0x31: {  	s10 =	smov.u32 s12;
	s12 =	smov.u32 s18;
	[sflag:s17] =	ssyncadd.s32 @!p1 s19  }
.LBB1_1:
0x32: {  	p1 =	sge.u32 s13, s5  }
0x33: {  	s16 =	sshrl.u32 @!p1 s12, $0x3  }
0x34: {  	s17 =	sshll.u32 @!p1 s11, $0x3;
	s16 =	smul.u32 @!p1 $0x1C00, s16  }
0x35: {  	s18 =	sshll.u32 @!p1 s12, $0x7;
	s17 =	sand.u32 @!p1 $0xFFFFFC00, s17  }
0x36: {  	s16 =	sadd.s32 @!p1 s16, s17;
	s17 =	sand.u32 @!p1 $0x380, s18  }
0x37: {  	s16 =	sor.u32 @!p1 s17, s16  }
0x38: {  	s17 =	sshrl.u32 @!p1 s16, $0x7  }
0x39: {  	s17 =	smulhi.u32 @!p1 $0x24924925, s17;
	_ =	sdelay $0x1  }
0x3a: {  	s18 =	sand.u32 @!p1 $0x7F, s11;
	s19 =	smul.u32 @!p1 $0x380, s17  }
0x3b: {  	s31 =	sadd.s32 $0xFFFFFFFF, s13;
	s16 =	sor.u32 @!p1 s18, s16;
	s18 =	sxor.u32 @!p1 $0xFFFFFFFF, s13  }
0x3c: {  	s18 =	sshll.u32 @!p1 s18, $0xE;
	s17 =	sand.u32 @!p1 $0x3FFF, s17;
	s16 =	ssub.s32 @!p1 s16, s19  }
0x3d: {  	s17 =	smul.u32 @!p1 $0x70, s17;
	s19 =	sshrl.u32 @!p1 s16, $0x3;
	s16 =	sand.u32 @!p1 $0x7, s16  }
0x3e: {  	s18 =	sand.u32 @!p1 $0x4000, s18;
	s19 =	sadd.s32 @!p1 s6, s19;
	s16 =	sshll.u32 @!p1 s16, $0x12  }
0x3f: {  	s17 =	sadd.s32 @!p1 s17, s19;
	s16 =	sor.u32 @!p1 $0x400, s16;
	s19 =	simm.s32 @!p1 $0x1C00  }
0x40: {  	[tilespmem:s18], [sflag:$0x1] =	stream.strided.gather @!p1 [hbm4b:s17+s16], $0x4000, s19, s16, $0x38;
	[tilespmem:$0x10100] =	vst v63  }
0x41: {  	p1 =	sge.u32 s31, s5  }
.Ltmp2:
0x42: {  	_ = 	snop;
	(pc) =	sbr.rel @p1 .LBB1_5-.Ltmp2, $1  }
0x43: {  	_ =	sdelay $0x3  }
0x44: {  	s16 =	simm.s32 $0x1  }
0x45: {  	_ =	swait.ge [sflag:s4], $0x4000;
	s16 =	simm.s32 @!p0 $0x0  }
0x46: {  	[sflag:s4] =	ssyncset.done $0x0;
	s17 =	sshll.u32 s16, $0xE  }
0x47: {  	[sflag:s4] =	ssyncadd.s32 $0xFFFFC000;
	s17 =	sor.u32 $0x40, s17  }
0x48: {  	s16 =	smul.u32 $0x10200, s16;
	v0 =	vld [tilespmem:s17+$0x30]  }
0x49: {  	v1 =	vld [tilespmem:s17+$0xFFFFFFD0]  }
0x4a: {  	s16 =	sshrl.u32 s16, $0x2;
	v5 =	vld [tilespmem:s17+$0xFFFFFFE0]  }
0x4b: {  	v6 =	vld [tilespmem:s17+$0xFFFFFFF0];
	s19 =	sor.u32 $0x8000, s16  }
0x4c: {  	s31 =	sand.u32 $0x1, s13;
	v4 =	vld [tilespmem:s17+$0x0];
	s18 =	sadd.s32 $0x0, s19  }
0x4d: {  	v3 =	vld [tilespmem:s17+$0x10];
	s16 =	smul.u32 $0x10200, s31;
	[tilespmem:s18+$0x3870 ss:$0x81] =	vst.msk $0xffff, v0  }
0x4e: {  	v2 =	vld [tilespmem:s17+$0x20];
	[tilespmem:s18+$0x810 ss:$0x81] =	vst.msk $0xffff, v1  }
0x4f: {  	s16 =	sshrl.u32 s16, $0x2;
	v1 =	vld [tilespmem:s17+$0xFFFFFFC0];
	[tilespmem:s18+$0x1020 ss:$0x81] =	vst.msk $0xffff, v5;
	s17 =	sadd.s32 $0x80, s17  }
0x50: {  	s20 =	simm.s32 $0x4;
	s21 =	simm.s32 $0x8;
	s16 =	sor.u32 $0x8000, s16;
	[tilespmem:s18+$0x1830 ss:$0x81] =	vst.msk $0xffff, v6;
	v0 =	vld [tilespmem:s17+$0x30]  }
.LBB1_3:
0x51: {  	p1 =	sne.s32 s21, $0x1FC;
	v5 =	vld [tilespmem:s17+$0xFFFFFFD0];
	[tilespmem:s18+$0x2040 ss:$0x81] =	vst.msk $0xffff, v4  }
0x52: {  	v6 =	vld [tilespmem:s17+$0xFFFFFFE0];
	[tilespmem:s18+$0x2850 ss:$0x81] =	vst.msk $0xffff, v3  }
0x53: {  	s22 =	sshra.s32 s20, $0x2;
	s20 =	smov.u32 s21;
	v7 =	vld [tilespmem:s17+$0xFFFFFFF0];
	[tilespmem:s18+$0x3060 ss:$0x81] =	vst.msk $0xffff, v2  }
.Ltmp3:
0x54: {  	v4 =	vld [tilespmem:s17+$0x0];
	[tilespmem:s18+$0x0 ss:$0x81] =	vst.msk $0xffff, v1;
	s18 =	sadd.s32 s22, s19;
	(pc) =	sbr.rel @p1 .LBB1_3-.Ltmp3, $4  }
0x55: {  	v3 =	vld [tilespmem:s17+$0x10];
	[tilespmem:s18+$0x3870 ss:$0x81] =	vst.msk $0xffff, v0  }
0x56: {  	[tilespmem:s18+$0x810 ss:$0x81] =	vst.msk $0xffff, v5;
	v2 =	vld [tilespmem:s17+$0x20]  }
0x57: {  	v1 =	vld [tilespmem:s17+$0xFFFFFFC0];
	[tilespmem:s18+$0x1020 ss:$0x81] =	vst.msk $0xffff, v6;
	s17 =	sadd.s32 $0x80, s17  }
0x58: {  	s21 =	sadd.s32 $0x4, s21;
	v0 =	vld [tilespmem:s17+$0x30];
	[tilespmem:s18+$0x1830 ss:$0x81] =	vst.msk $0xffff, v7  }
.Ltmp4:
0x59: {  	_ = 	snop;
	(pc) =	sbr.rel .LBB1_4-.Ltmp4, $1  }
0x5a: {  	_ =	sdelay $0x3  }
.LBB1_6:
0x5b: {  	_ =	sfence.sel $0x180000  }
0x5c: {  	s2 =	simm.s32 $0x1;
	[bflag:$0x0] =	sbarrier.arrive $0xFFFF  }
0x5d: {  	s31 =	simm.s32 $0x2;
	[sflag:s2] =	ssyncpa.u1 $0x1  }
0x5e: {  	[sflag:s31] =	ssyncpa.u1 $0x1  }
0x5f: {  	p0 =	sne.s32 s0, $0x0;
	_ =	strace $0x9000004A  }
0x60: {  	s0 =	sadd.s32 @!p0 $0x100000, s1;
	[bflag:$0x2] =	sbarrier.arrive $0xFFFF  }
0x61: {  	[sflag:s0] =	ssyncadd.tile.s32 @!p0 $0x1;
	_ =	shalt  }
.Lfunc_end1:
_tile_overlayer_lowered:
.L_overlay_start_2:
0x62: {  	(tag) =	ssettag $0x2  }
0x63: {  	s0 =	rddreg [dreg:$0x0];
	s2 =	stileid.u32  }
0x64: {  	s1 =	rddreg [dreg:$0x1];
	p0 =	sne.s32 s2, $0x0  }
0x65: {  	s3 =	rddreg [dreg:$0x2];
	[bflag:$0x3] =	sbarrier.arrive $0xFFFF;
	s2 =	simm.s32 @!p0 $0x1C01  }
0x66: {  	[timem:s3], [sflag:s2] =	dma.local @!p0 [hbm:s0], s1  }
0x67: {  	s0 =	simm.s32 @!p0 $0x1  }
0x68: {  	_ =	swait.ge @!p0 [sflag:s0], s1  }
0x69: {  	s1 =	ssub.s32 @!p0 $0x0, s1;
	[sflag:s0] =	ssyncset.done @!p0 $0x0  }
0x6a: {  	[sflag:s0] =	ssyncadd.s32 @!p0 s1  }
0x6b: {  	[bflag:$0x3] =	sbarrier.arrive $0xFFFF  }
0x6c: {  	_ =	shalt  }

</sc_bundles>
